<compile_context>
chip_gen: v7x
topology: tpu7x:2x2x1
jax: 0.10.2.dev20260603
libtpu: 0.0.44.dev20260713+nightly
codegen_flags: <defaults>
</compile_context>

<pallas_src>
import functools

import jax
import jax.numpy as jnp
import numpy as np
from jax import lax
from jax.experimental import pallas as pl
from jax.experimental.pallas import tpu as pltpu
from jax.experimental.pallas import tpu_sc as plsc

_N_BINS = 15
_BOUNDS = [float(b) for b in np.linspace(0.0, 1.0, _N_BINS + 1).astype(np.float32)]


def _dense_body(lab_ref, x_ref, conf_ref, acc_ref):
    x = x_ref[...]
    c_dim, _ = x.shape
    m = jnp.max(x, axis=0, keepdims=True)
    s = jnp.sum(jnp.exp(x), axis=0, keepdims=True)
    conf = jnp.exp(m) / s
    col = lax.broadcasted_iota(jnp.int32, x.shape, 0)
    pred = jnp.min(jnp.where(x == m, col, c_dim), axis=0, keepdims=True)
    acc = (pred == lab_ref[0]).astype(jnp.float32)
    conf_ref[0] = conf
    acc_ref[0] = acc


def _dense_stage(logits, labels, bc=2048):
    n, c = logits.shape
    g = n // bc
    xt = logits.T
    lab3 = labels.astype(jnp.int32).reshape(g, 1, bc)
    conf3, acc3 = pl.pallas_call(
        _dense_body,
        grid=(g,),
        in_specs=[
            pl.BlockSpec((1, 1, bc), lambda i: (i, 0, 0)),
            pl.BlockSpec((c, bc), lambda i: (0, i)),
        ],
        out_specs=[
            pl.BlockSpec((1, 1, bc), lambda i: (i, 0, 0)),
            pl.BlockSpec((1, 1, bc), lambda i: (i, 0, 0)),
        ],
        out_shape=[
            jax.ShapeDtypeStruct((g, 1, bc), jnp.float32),
            jax.ShapeDtypeStruct((g, 1, bc), jnp.float32),
        ],
    )(lab3, xt)
    return conf3.reshape(n), acc3.reshape(n)


def _make_sc_binner(n):
    n_workers = 16
    chunk = n // n_workers
    nsl = chunk // 16
    mesh = plsc.VectorSubcoreMesh(core_axis_name="c", subcore_axis_name="s")

    @functools.partial(
        pl.kernel,
        mesh=mesh,
        compiler_params=pltpu.CompilerParams(needs_layout_passes=False),
        out_type=jax.ShapeDtypeStruct((16,), jnp.float32),
        scratch_types=[
            pltpu.VMEM((chunk,), jnp.float32),
            pltpu.VMEM((chunk,), jnp.float32),
            pltpu.VMEM((16,), jnp.float32),
            pltpu.VMEM((16,), jnp.float32),
            pltpu.VMEM((16,), jnp.float32),
            pltpu.VMEM((48,), jnp.float32),
            pltpu.VMEM_SHARED((16 * 48,), jnp.float32),
            pltpu.VMEM((16 * 48,), jnp.float32),
            pltpu.VMEM((16,), jnp.float32),
        ],
    )
    def binner(conf_hbm, acc_hbm, out_hbm, conf_v, acc_v, cnt_t, cs_t, as_t,
               part_v, part_sh, red_v, out_v):
        cid = lax.axis_index("c")
        sid = lax.axis_index("s")

        @pl.when(cid == 0)
        def _core0():
            base = sid * chunk
            pltpu.sync_copy(conf_hbm.at[pl.ds(base, chunk)], conf_v)
            pltpu.sync_copy(acc_hbm.at[pl.ds(base, chunk)], acc_v)
            zeros = jnp.zeros((16,), jnp.float32)
            ones = jnp.ones((16,), jnp.float32)
            cnt_t[...] = zeros
            cs_t[...] = zeros
            as_t[...] = zeros

            unroll = 4

            def body(si, carry):
                for u in range(unroll):
                    off = si * (16 * unroll) + u * 16
                    cv = conf_v[pl.ds(off, 16)]
                    av = acc_v[pl.ds(off, 16)]
                    b = jnp.zeros((16,), jnp.int32)
                    for i in range(1, _N_BINS):
                        b = b + jnp.where(cv > _BOUNDS[i], 1, 0).astype(jnp.int32)
                    plsc.addupdate_scatter(cnt_t, [b], ones)
                    plsc.addupdate_scatter(cs_t, [b], cv)
                    plsc.addupdate_scatter(as_t, [b], av)
                return carry

            lax.fori_loop(0, nsl // unroll, body, 0)
            part_v[pl.ds(0, 16)] = cnt_t[...]
            part_v[pl.ds(16, 16)] = cs_t[...]
            part_v[pl.ds(32, 16)] = as_t[...]
            pltpu.sync_copy(part_v, part_sh.at[pl.ds(sid * 48, 48)])
            plsc.subcore_barrier()

            @pl.when(sid == 0)
            def _final():
                pltpu.sync_copy(part_sh, red_v)
                cnt = jnp.zeros((16,), jnp.float32)
                cs = jnp.zeros((16,), jnp.float32)
                asm = jnp.zeros((16,), jnp.float32)
                for w in range(n_workers):
                    cnt = cnt + red_v[pl.ds(w * 48, 16)]
                    cs = cs + red_v[pl.ds(w * 48 + 16, 16)]
                    asm = asm + red_v[pl.ds(w * 48 + 32, 16)]
                denom = jnp.maximum(cnt, 1.0)
                contrib = jnp.where(
                    cnt > 0.0,
                    jnp.abs(cs - asm) / denom * (cnt / float(n)),
                    0.0,
                )
                out_v[...] = jnp.sum(contrib) * jnp.ones((16,), jnp.float32)
                pltpu.sync_copy(out_v, out_hbm)

    return binner


def kernel(logits, labels):
    n, _ = logits.shape
    conf, acc = _dense_stage(logits, labels)
    ece16 = _make_sc_binner(n)(conf, acc)
    return ece16[0:1]

# --- scband reference (transcript-rebuilt; emitter-appended) ---
"""Pipeline reference for scband-eceloss-9835475108548 (READ-ONLY COPY).

The authoritative reference and input builder live on the scoring server;
editing this copy changes nothing except your own understanding.
"""

import jax, jax.numpy as jnp
import numpy as np

N_BINS = 15

def setup_inputs(seed: int = 0) -> dict:
    key = jax.random.key(seed)
    k1, k2 = jax.random.split(key)
    logits = jax.random.normal(k1, (16384, 1000), dtype=jnp.float32)
    labels = jax.random.randint(k2, (16384,), 0, 1000, dtype=jnp.int64) if jax.config.read('jax_enable_x64') else jax.random.randint(k2, (16384,), 0, 1000, dtype=jnp.int32)
    return {"logits": logits, "labels": labels}

def reference(logits, labels):
    softmaxes = jax.nn.softmax(logits, axis=1)
    confidences = jnp.max(softmaxes, axis=1)
    predictions = jnp.argmax(softmaxes, axis=1)
    accuracies = (predictions == labels).astype(jnp.float32)
    bin_boundaries = jnp.linspace(0.0, 1.0, N_BINS + 1)
    bin_lowers = bin_boundaries[:-1]
    bin_uppers = bin_boundaries[1:]
    n = confidences.shape[0]
    ece = jnp.zeros((1,), dtype=jnp.float32)
    for i in range(N_BINS):
        in_bin = ((confidences > bin_lowers[i]) & (confidences <= bin_uppers[i])).astype(jnp.float32)
        cnt = jnp.sum(in_bin)
        prop_in_bin = cnt / n
        denom = jnp.maximum(cnt, 1.0)
        accuracy_in_bin = jnp.sum(accuracies * in_bin) / denom
        avg_confidence_in_bin = jnp.sum(confidences * in_bin) / denom
        contrib = jnp.abs(avg_confidence_in_bin - accuracy_in_bin) * prop_in_bin
        ece = ece + jnp.where(cnt > 0, contrib, 0.0)
    return ece

if __name__ == "__main__":
    import jax
    _d = setup_inputs()
    print(jax.jit(kernel)(*tuple(_d.values())))

</pallas_src>

<mosaic_0001>
#map = affine_map<(d0, d1) -> (0)>
module attributes {stable_mosaic.version = 14 : i64} {
  func.func @binner(%arg0: i32, %arg1: i32, %arg2: memref<16384xf32, #tpu.memory_space<hbm>>, %arg3: memref<16384xf32, #tpu.memory_space<hbm>>, %arg4: memref<16xf32, #tpu.memory_space<hbm>>, %arg5: memref<1024xf32, #tpu.memory_space<vmem>>, %arg6: memref<1024xf32, #tpu.memory_space<vmem>>, %arg7: memref<16xf32, #tpu.memory_space<vmem>>, %arg8: memref<16xf32, #tpu.memory_space<vmem>>, %arg9: memref<16xf32, #tpu.memory_space<vmem>>, %arg10: memref<48xf32, #tpu.memory_space<vmem>>, %arg11: memref<768xf32, #tpu.memory_space<vmem_shared>>, %arg12: memref<768xf32, #tpu.memory_space<vmem>>, %arg13: memref<16xf32, #tpu.memory_space<vmem>>) attributes {dimension_semantics = [#tpu.dimension_semantics<core_parallel>, #tpu.dimension_semantics<subcore_parallel>], iteration_bounds = array<i64: 2, 16>, scalar_prefetch = 0 : i64, scratch_operands = 9 : i64, tpu.core_type = #tpu.core_type<sc_vector_subcore>, window_params = [{transform_indices = #map}, {transform_indices = #map}, {transform_indices = #map}]} {
    %eq3A = arith.constant 0 : i32
    %eq3A_0 = arith.cmpi eq, %arg0, %eq3A : i32
    %convert_element_type3A = arith.extui %eq3A_0 : i1 to i32
    %cond3A = arith.constant 0 : i32
    %cond3A_1 = arith.cmpi ne, %convert_element_type3A, %cond3A : i32
    scf.if %cond3A_1 {
      %mul3A = arith.constant 1024 : i32
      %mul3A_2 = arith.muli %arg1, %mul3A : i32
      "tpu.region"() ({
        %run_scoped3A = tpu.sem_alloc : memref<!tpu.dma_semaphore, #tpu.memory_space<semaphore_mem>>
        %dma_start3A = tpu.memref_slice %arg2[%mul3A_2] : memref<16384xf32, #tpu.memory_space<hbm>> -> memref<1024xf32, #tpu.memory_space<hbm>>
        %dma_start3A_34 = tpu.memref_slice %arg2[%mul3A_2] : memref<16384xf32, #tpu.memory_space<hbm>> -> memref<1024xf32, #tpu.memory_space<hbm>>
        tpu.enqueue_dma source(%dma_start3A_34 : memref<1024xf32, #tpu.memory_space<hbm>>) target(%arg5 : memref<1024xf32, #tpu.memory_space<vmem>>) target_semaphore(%run_scoped3A : memref<!tpu.dma_semaphore, #tpu.memory_space<semaphore_mem>>)
        %dma_wait3A = tpu.memref_slice %arg2[%mul3A_2] : memref<16384xf32, #tpu.memory_space<hbm>> -> memref<1024xf32, #tpu.memory_space<hbm>>
        %dma_wait3A_35 = tpu.memref_slice %arg2[%mul3A_2] : memref<16384xf32, #tpu.memory_space<hbm>> -> memref<1024xf32, #tpu.memory_space<hbm>>
        tpu.wait_dma2 semaphore(%run_scoped3A : memref<!tpu.dma_semaphore, #tpu.memory_space<semaphore_mem>>) src(%dma_wait3A_35 : memref<1024xf32, #tpu.memory_space<hbm>>) dst(%arg5 : memref<1024xf32, #tpu.memory_space<vmem>>)
        tpu.yield
      }) : () -> ()
      "tpu.region"() ({
        %run_scoped3A = tpu.sem_alloc : memref<!tpu.dma_semaphore, #tpu.memory_space<semaphore_mem>>
        %dma_start3A = tpu.memref_slice %arg3[%mul3A_2] : memref<16384xf32, #tpu.memory_space<hbm>> -> memref<1024xf32, #tpu.memory_space<hbm>>
        %dma_start3A_34 = tpu.memref_slice %arg3[%mul3A_2] : memref<16384xf32, #tpu.memory_space<hbm>> -> memref<1024xf32, #tpu.memory_space<hbm>>
        tpu.enqueue_dma source(%dma_start3A_34 : memref<1024xf32, #tpu.memory_space<hbm>>) target(%arg6 : memref<1024xf32, #tpu.memory_space<vmem>>) target_semaphore(%run_scoped3A : memref<!tpu.dma_semaphore, #tpu.memory_space<semaphore_mem>>)
        %dma_wait3A = tpu.memref_slice %arg3[%mul3A_2] : memref<16384xf32, #tpu.memory_space<hbm>> -> memref<1024xf32, #tpu.memory_space<hbm>>
        %dma_wait3A_35 = tpu.memref_slice %arg3[%mul3A_2] : memref<16384xf32, #tpu.memory_space<hbm>> -> memref<1024xf32, #tpu.memory_space<hbm>>
        tpu.wait_dma2 semaphore(%run_scoped3A : memref<!tpu.dma_semaphore, #tpu.memory_space<semaphore_mem>>) src(%dma_wait3A_35 : memref<1024xf32, #tpu.memory_space<hbm>>) dst(%arg6 : memref<1024xf32, #tpu.memory_space<vmem>>)
        tpu.yield
      }) : () -> ()
      %broadcast_in_dim3A = arith.constant 0.000000e+00 : f32
      %broadcast_in_dim3A_3 = vector.broadcast %broadcast_in_dim3A : f32 to vector<16xf32>
      %broadcast_in_dim3A_4 = arith.constant 1.000000e+00 : f32
      %broadcast_in_dim3A_5 = vector.broadcast %broadcast_in_dim3A_4 : f32 to vector<16xf32>
      %swap3A = arith.constant 0 : index
      %swap3A_6 = tpu.vector_load %arg7[%swap3A] {strides = array<i32>} : memref<16xf32, #tpu.memory_space<vmem>>, vector<16xf32>,
      tpu.vector_store %arg7[%swap3A], %broadcast_in_dim3A_3 {strides = array<i32>} : memref<16xf32, #tpu.memory_space<vmem>>, vector<16xf32>,
      %swap3A_7 = arith.constant 0 : index
      %swap3A_8 = tpu.vector_load %arg8[%swap3A_7] {strides = array<i32>} : memref<16xf32, #tpu.memory_space<vmem>>, vector<16xf32>,
      tpu.vector_store %arg8[%swap3A_7], %broadcast_in_dim3A_3 {strides = array<i32>} : memref<16xf32, #tpu.memory_space<vmem>>, vector<16xf32>,
      %swap3A_9 = arith.constant 0 : index
      %swap3A_10 = tpu.vector_load %arg9[%swap3A_9] {strides = array<i32>} : memref<16xf32, #tpu.memory_space<vmem>>, vector<16xf32>,
      tpu.vector_store %arg9[%swap3A_9], %broadcast_in_dim3A_3 {strides = array<i32>} : memref<16xf32, #tpu.memory_space<vmem>>, vector<16xf32>,
      %scan3A = arith.constant 0 : i32
      %scan3A_11 = arith.constant 0 : i32
      %scan3A_12 = arith.constant 16 : i32
      %scan3A_13 = arith.addi %scan3A_11, %scan3A_12 : i32
      %scan3A_14 = arith.constant 1 : i32
      scf.for %scan3A_34 = %scan3A_11 to %scan3A_13 step %scan3A_14  : i32 {
        %mul3A_35 = arith.constant 64 : i32
        %mul3A_36 = arith.muli %scan3A_34, %mul3A_35 : i32
        %add3A = arith.constant 0 : i32
        %add3A_37 = arith.addi %mul3A_36, %add3A : i32
        %get3A_38 = arith.index_cast %add3A_37 : i32 to index
        %get3A_39 = tpu.vector_load %arg5[%get3A_38] {strides = array<i32>} : memref<1024xf32, #tpu.memory_space<vmem>>, vector<16xf32>,
        %get3A_40 = arith.index_cast %add3A_37 : i32 to index
        %get3A_41 = tpu.vector_load %arg6[%get3A_40] {strides = array<i32>} : memref<1024xf32, #tpu.memory_space<vmem>>, vector<16xf32>,
        %broadcast_in_dim3A_42 = arith.constant 0 : i32
        %broadcast_in_dim3A_43 = vector.broadcast %broadcast_in_dim3A_42 : i32 to vector<16xi32>
        %gt3A = arith.constant 0.0666666701 : f32
        %gt3A_44 = vector.broadcast %gt3A : f32 to vector<16xf32>
        %gt3A_45 = arith.cmpf ogt, %get3A_39, %gt3A_44 : vector<16xf32>
        %jit3A = arith.constant 1 : i32
        %jit3A_46 = arith.constant 0 : i32
        %broadcast_in_dim3A_47 = vector.broadcast %jit3A : i32 to vector<16xi32>
        %broadcast_in_dim3A_48 = vector.broadcast %jit3A_46 : i32 to vector<16xi32>
        %select_n3A = arith.select %gt3A_45, %broadcast_in_dim3A_47, %broadcast_in_dim3A_48 : vector<16xi1>, vector<16xi32>
        %add3A_49 = arith.addi %broadcast_in_dim3A_43, %select_n3A : vector<16xi32>
        %gt3A_50 = arith.constant 0.13333334 : f32
        %gt3A_51 = vector.broadcast %gt3A_50 : f32 to vector<16xf32>
        %gt3A_52 = arith.cmpf ogt, %get3A_39, %gt3A_51 : vector<16xf32>
        %jit3A_53 = arith.constant 1 : i32
        %jit3A_54 = arith.constant 0 : i32
        %broadcast_in_dim3A_55 = vector.broadcast %jit3A_53 : i32 to vector<16xi32>
        %broadcast_in_dim3A_56 = vector.broadcast %jit3A_54 : i32 to vector<16xi32>
        %select_n3A_57 = arith.select %gt3A_52, %broadcast_in_dim3A_55, %broadcast_in_dim3A_56 : vector<16xi1>, vector<16xi32>
        %add3A_58 = arith.addi %add3A_49, %select_n3A_57 : vector<16xi32>
        %gt3A_59 = arith.constant 2.000000e-01 : f32
        %gt3A_60 = vector.broadcast %gt3A_59 : f32 to vector<16xf32>
        %gt3A_61 = arith.cmpf ogt, %get3A_39, %gt3A_60 : vector<16xf32>
        %jit3A_62 = arith.constant 1 : i32
        %jit3A_63 = arith.constant 0 : i32
        %broadcast_in_dim3A_64 = vector.broadcast %jit3A_62 : i32 to vector<16xi32>
        %broadcast_in_dim3A_65 = vector.broadcast %jit3A_63 : i32 to vector<16xi32>
        %select_n3A_66 = arith.select %gt3A_61, %broadcast_in_dim3A_64, %broadcast_in_dim3A_65 : vector<16xi1>, vector<16xi32>
        %add3A_67 = arith.addi %add3A_58, %select_n3A_66 : vector<16xi32>
        %gt3A_68 = arith.constant 0.266666681 : f32
        %gt3A_69 = vector.broadcast %gt3A_68 : f32 to vector<16xf32>
        %gt3A_70 = arith.cmpf ogt, %get3A_39, %gt3A_69 : vector<16xf32>
        %jit3A_71 = arith.constant 1 : i32
        %jit3A_72 = arith.constant 0 : i32
        %broadcast_in_dim3A_73 = vector.broadcast %jit3A_71 : i32 to vector<16xi32>
        %broadcast_in_dim3A_74 = vector.broadcast %jit3A_72 : i32 to vector<16xi32>
        %select_n3A_75 = arith.select %gt3A_70, %broadcast_in_dim3A_73, %broadcast_in_dim3A_74 : vector<16xi1>, vector<16xi32>
        %add3A_76 = arith.addi %add3A_67, %select_n3A_75 : vector<16xi32>
        %gt3A_77 = arith.constant 0.333333343 : f32
        %gt3A_78 = vector.broadcast %gt3A_77 : f32 to vector<16xf32>
        %gt3A_79 = arith.cmpf ogt, %get3A_39, %gt3A_78 : vector<16xf32>
        %jit3A_80 = arith.constant 1 : i32
        %jit3A_81 = arith.constant 0 : i32
        %broadcast_in_dim3A_82 = vector.broadcast %jit3A_80 : i32 to vector<16xi32>
        %broadcast_in_dim3A_83 = vector.broadcast %jit3A_81 : i32 to vector<16xi32>
        %select_n3A_84 = arith.select %gt3A_79, %broadcast_in_dim3A_82, %broadcast_in_dim3A_83 : vector<16xi1>, vector<16xi32>
        %add3A_85 = arith.addi %add3A_76, %select_n3A_84 : vector<16xi32>
        %gt3A_86 = arith.constant 4.000000e-01 : f32
        %gt3A_87 = vector.broadcast %gt3A_86 : f32 to vector<16xf32>
        %gt3A_88 = arith.cmpf ogt, %get3A_39, %gt3A_87 : vector<16xf32>
        %jit3A_89 = arith.constant 1 : i32
        %jit3A_90 = arith.constant 0 : i32
        %broadcast_in_dim3A_91 = vector.broadcast %jit3A_89 : i32 to vector<16xi32>
        %broadcast_in_dim3A_92 = vector.broadcast %jit3A_90 : i32 to vector<16xi32>
        %select_n3A_93 = arith.select %gt3A_88, %broadcast_in_dim3A_91, %broadcast_in_dim3A_92 : vector<16xi1>, vector<16xi32>
        %add3A_94 = arith.addi %add3A_85, %select_n3A_93 : vector<16xi32>
        %gt3A_95 = arith.constant 0.466666669 : f32
        %gt3A_96 = vector.broadcast %gt3A_95 : f32 to vector<16xf32>
        %gt3A_97 = arith.cmpf ogt, %get3A_39, %gt3A_96 : vector<16xf32>
        %jit3A_98 = arith.constant 1 : i32
        %jit3A_99 = arith.constant 0 : i32
        %broadcast_in_dim3A_100 = vector.broadcast %jit3A_98 : i32 to vector<16xi32>
        %broadcast_in_dim3A_101 = vector.broadcast %jit3A_99 : i32 to vector<16xi32>
        %select_n3A_102 = arith.select %gt3A_97, %broadcast_in_dim3A_100, %broadcast_in_dim3A_101 : vector<16xi1>, vector<16xi32>
        %add3A_103 = arith.addi %add3A_94, %select_n3A_102 : vector<16xi32>
        %gt3A_104 = arith.constant 0.533333361 : f32
        %gt3A_105 = vector.broadcast %gt3A_104 : f32 to vector<16xf32>
        %gt3A_106 = arith.cmpf ogt, %get3A_39, %gt3A_105 : vector<16xf32>
        %jit3A_107 = arith.constant 1 : i32
        %jit3A_108 = arith.constant 0 : i32
        %broadcast_in_dim3A_109 = vector.broadcast %jit3A_107 : i32 to vector<16xi32>
        %broadcast_in_dim3A_110 = vector.broadcast %jit3A_108 : i32 to vector<16xi32>
        %select_n3A_111 = arith.select %gt3A_106, %broadcast_in_dim3A_109, %broadcast_in_dim3A_110 : vector<16xi1>, vector<16xi32>
        %add3A_112 = arith.addi %add3A_103, %select_n3A_111 : vector<16xi32>
        %gt3A_113 = arith.constant 6.000000e-01 : f32
        %gt3A_114 = vector.broadcast %gt3A_113 : f32 to vector<16xf32>
        %gt3A_115 = arith.cmpf ogt, %get3A_39, %gt3A_114 : vector<16xf32>
        %jit3A_116 = arith.constant 1 : i32
        %jit3A_117 = arith.constant 0 : i32
        %broadcast_in_dim3A_118 = vector.broadcast %jit3A_116 : i32 to vector<16xi32>
        %broadcast_in_dim3A_119 = vector.broadcast %jit3A_117 : i32 to vector<16xi32>
        %select_n3A_120 = arith.select %gt3A_115, %broadcast_in_dim3A_118, %broadcast_in_dim3A_119 : vector<16xi1>, vector<16xi32>
        %add3A_121 = arith.addi %add3A_112, %select_n3A_120 : vector<16xi32>
        %gt3A_122 = arith.constant 0.666666686 : f32
        %gt3A_123 = vector.broadcast %gt3A_122 : f32 to vector<16xf32>
        %gt3A_124 = arith.cmpf ogt, %get3A_39, %gt3A_123 : vector<16xf32>
        %jit3A_125 = arith.constant 1 : i32
        %jit3A_126 = arith.constant 0 : i32
        %broadcast_in_dim3A_127 = vector.broadcast %jit3A_125 : i32 to vector<16xi32>
        %broadcast_in_dim3A_128 = vector.broadcast %jit3A_126 : i32 to vector<16xi32>
        %select_n3A_129 = arith.select %gt3A_124, %broadcast_in_dim3A_127, %broadcast_in_dim3A_128 : vector<16xi1>, vector<16xi32>
        %add3A_130 = arith.addi %add3A_121, %select_n3A_129 : vector<16xi32>
        %gt3A_131 = arith.constant 0.733333349 : f32
        %gt3A_132 = vector.broadcast %gt3A_131 : f32 to vector<16xf32>
        %gt3A_133 = arith.cmpf ogt, %get3A_39, %gt3A_132 : vector<16xf32>
        %jit3A_134 = arith.constant 1 : i32
        %jit3A_135 = arith.constant 0 : i32
        %broadcast_in_dim3A_136 = vector.broadcast %jit3A_134 : i32 to vector<16xi32>
        %broadcast_in_dim3A_137 = vector.broadcast %jit3A_135 : i32 to vector<16xi32>
        %select_n3A_138 = arith.select %gt3A_133, %broadcast_in_dim3A_136, %broadcast_in_dim3A_137 : vector<16xi1>, vector<16xi32>
        %add3A_139 = arith.addi %add3A_130, %select_n3A_138 : vector<16xi32>
        %gt3A_140 = arith.constant 8.000000e-01 : f32
        %gt3A_141 = vector.broadcast %gt3A_140 : f32 to vector<16xf32>
        %gt3A_142 = arith.cmpf ogt, %get3A_39, %gt3A_141 : vector<16xf32>
        %jit3A_143 = arith.constant 1 : i32
        %jit3A_144 = arith.constant 0 : i32
        %broadcast_in_dim3A_145 = vector.broadcast %jit3A_143 : i32 to vector<16xi32>
        %broadcast_in_dim3A_146 = vector.broadcast %jit3A_144 : i32 to vector<16xi32>
        %select_n3A_147 = arith.select %gt3A_142, %broadcast_in_dim3A_145, %broadcast_in_dim3A_146 : vector<16xi1>, vector<16xi32>
        %add3A_148 = arith.addi %add3A_139, %select_n3A_147 : vector<16xi32>
        %gt3A_149 = arith.constant 0.866666674 : f32
        %gt3A_150 = vector.broadcast %gt3A_149 : f32 to vector<16xf32>
        %gt3A_151 = arith.cmpf ogt, %get3A_39, %gt3A_150 : vector<16xf32>
        %jit3A_152 = arith.constant 1 : i32
        %jit3A_153 = arith.constant 0 : i32
        %broadcast_in_dim3A_154 = vector.broadcast %jit3A_152 : i32 to vector<16xi32>
        %broadcast_in_dim3A_155 = vector.broadcast %jit3A_153 : i32 to vector<16xi32>
        %select_n3A_156 = arith.select %gt3A_151, %broadcast_in_dim3A_154, %broadcast_in_dim3A_155 : vector<16xi1>, vector<16xi32>
        %add3A_157 = arith.addi %add3A_148, %select_n3A_156 : vector<16xi32>
        %gt3A_158 = arith.constant 0.933333337 : f32
        %gt3A_159 = vector.broadcast %gt3A_158 : f32 to vector<16xf32>
        %gt3A_160 = arith.cmpf ogt, %get3A_39, %gt3A_159 : vector<16xf32>
        %jit3A_161 = arith.constant 1 : i32
        %jit3A_162 = arith.constant 0 : i32
        %broadcast_in_dim3A_163 = vector.broadcast %jit3A_161 : i32 to vector<16xi32>
        %broadcast_in_dim3A_164 = vector.broadcast %jit3A_162 : i32 to vector<16xi32>
        %select_n3A_165 = arith.select %gt3A_160, %broadcast_in_dim3A_163, %broadcast_in_dim3A_164 : vector<16xi1>, vector<16xi32>
        %add3A_166 = arith.addi %add3A_157, %select_n3A_165 : vector<16xi32>
        tpu.vector_store_idx %arg7[%add3A_166], %broadcast_in_dim3A_5 {add = true} : memref<16xf32, #tpu.memory_space<vmem>>[vector<16xi32>], vector<16xf32>,
        tpu.vector_store_idx %arg8[%add3A_166], %get3A_39 {add = true} : memref<16xf32, #tpu.memory_space<vmem>>[vector<16xi32>], vector<16xf32>,
        tpu.vector_store_idx %arg9[%add3A_166], %get3A_41 {add = true} : memref<16xf32, #tpu.memory_space<vmem>>[vector<16xi32>], vector<16xf32>,
        %mul3A_167 = arith.constant 64 : i32
        %mul3A_168 = arith.muli %scan3A_34, %mul3A_167 : i32
        %add3A_169 = arith.constant 16 : i32
        %add3A_170 = arith.addi %mul3A_168, %add3A_169 : i32
        %get3A_171 = arith.index_cast %add3A_170 : i32 to index
        %get3A_172 = tpu.vector_load %arg5[%get3A_171] {strides = array<i32>} : memref<1024xf32, #tpu.memory_space<vmem>>, vector<16xf32>,
        %get3A_173 = arith.index_cast %add3A_170 : i32 to index
        %get3A_174 = tpu.vector_load %arg6[%get3A_173] {strides = array<i32>} : memref<1024xf32, #tpu.memory_space<vmem>>, vector<16xf32>,
        %broadcast_in_dim3A_175 = arith.constant 0 : i32
        %broadcast_in_dim3A_176 = vector.broadcast %broadcast_in_dim3A_175 : i32 to vector<16xi32>
        %gt3A_177 = arith.constant 0.0666666701 : f32
        %gt3A_178 = vector.broadcast %gt3A_177 : f32 to vector<16xf32>
        %gt3A_179 = arith.cmpf ogt, %get3A_172, %gt3A_178 : vector<16xf32>
        %jit3A_180 = arith.constant 1 : i32
        %jit3A_181 = arith.constant 0 : i32
        %broadcast_in_dim3A_182 = vector.broadcast %jit3A_180 : i32 to vector<16xi32>
        %broadcast_in_dim3A_183 = vector.broadcast %jit3A_181 : i32 to vector<16xi32>
        %select_n3A_184 = arith.select %gt3A_179, %broadcast_in_dim3A_182, %broadcast_in_dim3A_183 : vector<16xi1>, vector<16xi32>
        %add3A_185 = arith.addi %broadcast_in_dim3A_176, %select_n3A_184 : vector<16xi32>
        %gt3A_186 = arith.constant 0.13333334 : f32
        %gt3A_187 = vector.broadcast %gt3A_186 : f32 to vector<16xf32>
        %gt3A_188 = arith.cmpf ogt, %get3A_172, %gt3A_187 : vector<16xf32>
        %jit3A_189 = arith.constant 1 : i32
        %jit3A_190 = arith.constant 0 : i32
        %broadcast_in_dim3A_191 = vector.broadcast %jit3A_189 : i32 to vector<16xi32>
        %broadcast_in_dim3A_192 = vector.broadcast %jit3A_190 : i32 to vector<16xi32>
        %select_n3A_193 = arith.select %gt3A_188, %broadcast_in_dim3A_191, %broadcast_in_dim3A_192 : vector<16xi1>, vector<16xi32>
        %add3A_194 = arith.addi %add3A_185, %select_n3A_193 : vector<16xi32>
        %gt3A_195 = arith.constant 2.000000e-01 : f32
        %gt3A_196 = vector.broadcast %gt3A_195 : f32 to vector<16xf32>
        %gt3A_197 = arith.cmpf ogt, %get3A_172, %gt3A_196 : vector<16xf32>
        %jit3A_198 = arith.constant 1 : i32
        %jit3A_199 = arith.constant 0 : i32
        %broadcast_in_dim3A_200 = vector.broadcast %jit3A_198 : i32 to vector<16xi32>
        %broadcast_in_dim3A_201 = vector.broadcast %jit3A_199 : i32 to vector<16xi32>
        %select_n3A_202 = arith.select %gt3A_197, %broadcast_in_dim3A_200, %broadcast_in_dim3A_201 : vector<16xi1>, vector<16xi32>
        %add3A_203 = arith.addi %add3A_194, %select_n3A_202 : vector<16xi32>
        %gt3A_204 = arith.constant 0.266666681 : f32
        %gt3A_205 = vector.broadcast %gt3A_204 : f32 to vector<16xf32>
        %gt3A_206 = arith.cmpf ogt, %get3A_172, %gt3A_205 : vector<16xf32>
        %jit3A_207 = arith.constant 1 : i32
        %jit3A_208 = arith.constant 0 : i32
        %broadcast_in_dim3A_209 = vector.broadcast %jit3A_207 : i32 to vector<16xi32>
        %broadcast_in_dim3A_210 = vector.broadcast %jit3A_208 : i32 to vector<16xi32>
        %select_n3A_211 = arith.select %gt3A_206, %broadcast_in_dim3A_209, %broadcast_in_dim3A_210 : vector<16xi1>, vector<16xi32>
        %add3A_212 = arith.addi %add3A_203, %select_n3A_211 : vector<16xi32>
        %gt3A_213 = arith.constant 0.333333343 : f32
        %gt3A_214 = vector.broadcast %gt3A_213 : f32 to vector<16xf32>
        %gt3A_215 = arith.cmpf ogt, %get3A_172, %gt3A_214 : vector<16xf32>
        %jit3A_216 = arith.constant 1 : i32
        %jit3A_217 = arith.constant 0 : i32
        %broadcast_in_dim3A_218 = vector.broadcast %jit3A_216 : i32 to vector<16xi32>
        %broadcast_in_dim3A_219 = vector.broadcast %jit3A_217 : i32 to vector<16xi32>
        %select_n3A_220 = arith.select %gt3A_215, %broadcast_in_dim3A_218, %broadcast_in_dim3A_219 : vector<16xi1>, vector<16xi32>
        %add3A_221 = arith.addi %add3A_212, %select_n3A_220 : vector<16xi32>
        %gt3A_222 = arith.constant 4.000000e-01 : f32
        %gt3A_223 = vector.broadcast %gt3A_222 : f32 to vector<16xf32>
        %gt3A_224 = arith.cmpf ogt, %get3A_172, %gt3A_223 : vector<16xf32>
        %jit3A_225 = arith.constant 1 : i32
        %jit3A_226 = arith.constant 0 : i32
        %broadcast_in_dim3A_227 = vector.broadcast %jit3A_225 : i32 to vector<16xi32>
        %broadcast_in_dim3A_228 = vector.broadcast %jit3A_226 : i32 to vector<16xi32>
        %select_n3A_229 = arith.select %gt3A_224, %broadcast_in_dim3A_227, %broadcast_in_dim3A_228 : vector<16xi1>, vector<16xi32>
        %add3A_230 = arith.addi %add3A_221, %select_n3A_229 : vector<16xi32>
        %gt3A_231 = arith.constant 0.466666669 : f32
        %gt3A_232 = vector.broadcast %gt3A_231 : f32 to vector<16xf32>
        %gt3A_233 = arith.cmpf ogt, %get3A_172, %gt3A_232 : vector<16xf32>
        %jit3A_234 = arith.constant 1 : i32
        %jit3A_235 = arith.constant 0 : i32
        %broadcast_in_dim3A_236 = vector.broadcast %jit3A_234 : i32 to vector<16xi32>
        %broadcast_in_dim3A_237 = vector.broadcast %jit3A_235 : i32 to vector<16xi32>
        %select_n3A_238 = arith.select %gt3A_233, %broadcast_in_dim3A_236, %broadcast_in_dim3A_237 : vector<16xi1>, vector<16xi32>
        %add3A_239 = arith.addi %add3A_230, %select_n3A_238 : vector<16xi32>
        %gt3A_240 = arith.constant 0.533333361 : f32
        %gt3A_241 = vector.broadcast %gt3A_240 : f32 to vector<16xf32>
        %gt3A_242 = arith.cmpf ogt, %get3A_172, %gt3A_241 : vector<16xf32>
        %jit3A_243 = arith.constant 1 : i32
        %jit3A_244 = arith.constant 0 : i32
        %broadcast_in_dim3A_245 = vector.broadcast %jit3A_243 : i32 to vector<16xi32>
        %broadcast_in_dim3A_246 = vector.broadcast %jit3A_244 : i32 to vector<16xi32>
        %select_n3A_247 = arith.select %gt3A_242, %broadcast_in_dim3A_245, %broadcast_in_dim3A_246 : vector<16xi1>, vector<16xi32>
        %add3A_248 = arith.addi %add3A_239, %select_n3A_247 : vector<16xi32>
        %gt3A_249 = arith.constant 6.000000e-01 : f32
        %gt3A_250 = vector.broadcast %gt3A_249 : f32 to vector<16xf32>
        %gt3A_251 = arith.cmpf ogt, %get3A_172, %gt3A_250 : vector<16xf32>
        %jit3A_252 = arith.constant 1 : i32
        %jit3A_253 = arith.constant 0 : i32
        %broadcast_in_dim3A_254 = vector.broadcast %jit3A_252 : i32 to vector<16xi32>
        %broadcast_in_dim3A_255 = vector.broadcast %jit3A_253 : i32 to vector<16xi32>
        %select_n3A_256 = arith.select %gt3A_251, %broadcast_in_dim3A_254, %broadcast_in_dim3A_255 : vector<16xi1>, vector<16xi32>
        %add3A_257 = arith.addi %add3A_248, %select_n3A_256 : vector<16xi32>
        %gt3A_258 = arith.constant 0.666666686 : f32
        %gt3A_259 = vector.broadcast %gt3A_258 : f32 to vector<16xf32>
        %gt3A_260 = arith.cmpf ogt, %get3A_172, %gt3A_259 : vector<16xf32>
        %jit3A_261 = arith.constant 1 : i32
        %jit3A_262 = arith.constant 0 : i32
        %broadcast_in_dim3A_263 = vector.broadcast %jit3A_261 : i32 to vector<16xi32>
        %broadcast_in_dim3A_264 = vector.broadcast %jit3A_262 : i32 to vector<16xi32>
        %select_n3A_265 = arith.select %gt3A_260, %broadcast_in_dim3A_263, %broadcast_in_dim3A_264 : vector<16xi1>, vector<16xi32>
        %add3A_266 = arith.addi %add3A_257, %select_n3A_265 : vector<16xi32>
        %gt3A_267 = arith.constant 0.733333349 : f32
        %gt3A_268 = vector.broadcast %gt3A_267 : f32 to vector<16xf32>
        %gt3A_269 = arith.cmpf ogt, %get3A_172, %gt3A_268 : vector<16xf32>
        %jit3A_270 = arith.constant 1 : i32
        %jit3A_271 = arith.constant 0 : i32
        %broadcast_in_dim3A_272 = vector.broadcast %jit3A_270 : i32 to vector<16xi32>
        %broadcast_in_dim3A_273 = vector.broadcast %jit3A_271 : i32 to vector<16xi32>
        %select_n3A_274 = arith.select %gt3A_269, %broadcast_in_dim3A_272, %broadcast_in_dim3A_273 : vector<16xi1>, vector<16xi32>
        %add3A_275 = arith.addi %add3A_266, %select_n3A_274 : vector<16xi32>
        %gt3A_276 = arith.constant 8.000000e-01 : f32
        %gt3A_277 = vector.broadcast %gt3A_276 : f32 to vector<16xf32>
        %gt3A_278 = arith.cmpf ogt, %get3A_172, %gt3A_277 : vector<16xf32>
        %jit3A_279 = arith.constant 1 : i32
        %jit3A_280 = arith.constant 0 : i32
        %broadcast_in_dim3A_281 = vector.broadcast %jit3A_279 : i32 to vector<16xi32>
        %broadcast_in_dim3A_282 = vector.broadcast %jit3A_280 : i32 to vector<16xi32>
        %select_n3A_283 = arith.select %gt3A_278, %broadcast_in_dim3A_281, %broadcast_in_dim3A_282 : vector<16xi1>, vector<16xi32>
        %add3A_284 = arith.addi %add3A_275, %select_n3A_283 : vector<16xi32>
        %gt3A_285 = arith.constant 0.866666674 : f32
        %gt3A_286 = vector.broadcast %gt3A_285 : f32 to vector<16xf32>
        %gt3A_287 = arith.cmpf ogt, %get3A_172, %gt3A_286 : vector<16xf32>
        %jit3A_288 = arith.constant 1 : i32
        %jit3A_289 = arith.constant 0 : i32
        %broadcast_in_dim3A_290 = vector.broadcast %jit3A_288 : i32 to vector<16xi32>
        %broadcast_in_dim3A_291 = vector.broadcast %jit3A_289 : i32 to vector<16xi32>
        %select_n3A_292 = arith.select %gt3A_287, %broadcast_in_dim3A_290, %broadcast_in_dim3A_291 : vector<16xi1>, vector<16xi32>
        %add3A_293 = arith.addi %add3A_284, %select_n3A_292 : vector<16xi32>
        %gt3A_294 = arith.constant 0.933333337 : f32
        %gt3A_295 = vector.broadcast %gt3A_294 : f32 to vector<16xf32>
        %gt3A_296 = arith.cmpf ogt, %get3A_172, %gt3A_295 : vector<16xf32>
        %jit3A_297 = arith.constant 1 : i32
        %jit3A_298 = arith.constant 0 : i32
        %broadcast_in_dim3A_299 = vector.broadcast %jit3A_297 : i32 to vector<16xi32>
        %broadcast_in_dim3A_300 = vector.broadcast %jit3A_298 : i32 to vector<16xi32>
        %select_n3A_301 = arith.select %gt3A_296, %broadcast_in_dim3A_299, %broadcast_in_dim3A_300 : vector<16xi1>, vector<16xi32>
        %add3A_302 = arith.addi %add3A_293, %select_n3A_301 : vector<16xi32>
        tpu.vector_store_idx %arg7[%add3A_302], %broadcast_in_dim3A_5 {add = true} : memref<16xf32, #tpu.memory_space<vmem>>[vector<16xi32>], vector<16xf32>,
        tpu.vector_store_idx %arg8[%add3A_302], %get3A_172 {add = true} : memref<16xf32, #tpu.memory_space<vmem>>[vector<16xi32>], vector<16xf32>,
        tpu.vector_store_idx %arg9[%add3A_302], %get3A_174 {add = true} : memref<16xf32, #tpu.memory_space<vmem>>[vector<16xi32>], vector<16xf32>,
        %mul3A_303 = arith.constant 64 : i32
        %mul3A_304 = arith.muli %scan3A_34, %mul3A_303 : i32
        %add3A_305 = arith.constant 32 : i32
        %add3A_306 = arith.addi %mul3A_304, %add3A_305 : i32
        %get3A_307 = arith.index_cast %add3A_306 : i32 to index
        %get3A_308 = tpu.vector_load %arg5[%get3A_307] {strides = array<i32>} : memref<1024xf32, #tpu.memory_space<vmem>>, vector<16xf32>,
        %get3A_309 = arith.index_cast %add3A_306 : i32 to index
        %get3A_310 = tpu.vector_load %arg6[%get3A_309] {strides = array<i32>} : memref<1024xf32, #tpu.memory_space<vmem>>, vector<16xf32>,
        %broadcast_in_dim3A_311 = arith.constant 0 : i32
        %broadcast_in_dim3A_312 = vector.broadcast %broadcast_in_dim3A_311 : i32 to vector<16xi32>
        %gt3A_313 = arith.constant 0.0666666701 : f32
        %gt3A_314 = vector.broadcast %gt3A_313 : f32 to vector<16xf32>
        %gt3A_315 = arith.cmpf ogt, %get3A_308, %gt3A_314 : vector<16xf32>
        %jit3A_316 = arith.constant 1 : i32
        %jit3A_317 = arith.constant 0 : i32
        %broadcast_in_dim3A_318 = vector.broadcast %jit3A_316 : i32 to vector<16xi32>
        %broadcast_in_dim3A_319 = vector.broadcast %jit3A_317 : i32 to vector<16xi32>
        %select_n3A_320 = arith.select %gt3A_315, %broadcast_in_dim3A_318, %broadcast_in_dim3A_319 : vector<16xi1>, vector<16xi32>
        %add3A_321 = arith.addi %broadcast_in_dim3A_312, %select_n3A_320 : vector<16xi32>
        %gt3A_322 = arith.constant 0.13333334 : f32
        %gt3A_323 = vector.broadcast %gt3A_322 : f32 to vector<16xf32>
        %gt3A_324 = arith.cmpf ogt, %get3A_308, %gt3A_323 : vector<16xf32>
        %jit3A_325 = arith.constant 1 : i32
        %jit3A_326 = arith.constant 0 : i32
        %broadcast_in_dim3A_327 = vector.broadcast %jit3A_325 : i32 to vector<16xi32>
        %broadcast_in_dim3A_328 = vector.broadcast %jit3A_326 : i32 to vector<16xi32>
        %select_n3A_329 = arith.select %gt3A_324, %broadcast_in_dim3A_327, %broadcast_in_dim3A_328 : vector<16xi1>, vector<16xi32>
        %add3A_330 = arith.addi %add3A_321, %select_n3A_329 : vector<16xi32>
        %gt3A_331 = arith.constant 2.000000e-01 : f32
        %gt3A_332 = vector.broadcast %gt3A_331 : f32 to vector<16xf32>
        %gt3A_333 = arith.cmpf ogt, %get3A_308, %gt3A_332 : vector<16xf32>
        %jit3A_334 = arith.constant 1 : i32
        %jit3A_335 = arith.constant 0 : i32
        %broadcast_in_dim3A_336 = vector.broadcast %jit3A_334 : i32 to vector<16xi32>
        %broadcast_in_dim3A_337 = vector.broadcast %jit3A_335 : i32 to vector<16xi32>
        %select_n3A_338 = arith.select %gt3A_333, %broadcast_in_dim3A_336, %broadcast_in_dim3A_337 : vector<16xi1>, vector<16xi32>
        %add3A_339 = arith.addi %add3A_330, %select_n3A_338 : vector<16xi32>
        %gt3A_340 = arith.constant 0.266666681 : f32
        %gt3A_341 = vector.broadcast %gt3A_340 : f32 to vector<16xf32>
        %gt3A_342 = arith.cmpf ogt, %get3A_308, %gt3A_341 : vector<16xf32>
        %jit3A_343 = arith.constant 1 : i32
        %jit3A_344 = arith.constant 0 : i32
        %broadcast_in_dim3A_345 = vector.broadcast %jit3A_343 : i32 to vector<16xi32>
        %broadcast_in_dim3A_346 = vector.broadcast %jit3A_344 : i32 to vector<16xi32>
        %select_n3A_347 = arith.select %gt3A_342, %broadcast_in_dim3A_345, %broadcast_in_dim3A_346 : vector<16xi1>, vector<16xi32>
        %add3A_348 = arith.addi %add3A_339, %select_n3A_347 : vector<16xi32>
        %gt3A_349 = arith.constant 0.333333343 : f32
        %gt3A_350 = vector.broadcast %gt3A_349 : f32 to vector<16xf32>
        %gt3A_351 = arith.cmpf ogt, %get3A_308, %gt3A_350 : vector<16xf32>
        %jit3A_352 = arith.constant 1 : i32
        %jit3A_353 = arith.constant 0 : i32
        %broadcast_in_dim3A_354 = vector.broadcast %jit3A_352 : i32 to vector<16xi32>
        %broadcast_in_dim3A_355 = vector.broadcast %jit3A_353 : i32 to vector<16xi32>
        %select_n3A_356 = arith.select %gt3A_351, %broadcast_in_dim3A_354, %broadcast_in_dim3A_355 : vector<16xi1>, vector<16xi32>
        %add3A_357 = arith.addi %add3A_348, %select_n3A_356 : vector<16xi32>
        %gt3A_358 = arith.constant 4.000000e-01 : f32
        %gt3A_359 = vector.broadcast %gt3A_358 : f32 to vector<16xf32>
        %gt3A_360 = arith.cmpf ogt, %get3A_308, %gt3A_359 : vector<16xf32>
        %jit3A_361 = arith.constant 1 : i32
        %jit3A_362 = arith.constant 0 : i32
        %broadcast_in_dim3A_363 = vector.broadcast %jit3A_361 : i32 to vector<16xi32>
        %broadcast_in_dim3A_364 = vector.broadcast %jit3A_362 : i32 to vector<16xi32>
        %select_n3A_365 = arith.select %gt3A_360, %broadcast_in_dim3A_363, %broadcast_in_dim3A_364 : vector<16xi1>, vector<16xi32>
        %add3A_366 = arith.addi %add3A_357, %select_n3A_365 : vector<16xi32>
        %gt3A_367 = arith.constant 0.466666669 : f32
        %gt3A_368 = vector.broadcast %gt3A_367 : f32 to vector<16xf32>
        %gt3A_369 = arith.cmpf ogt, %get3A_308, %gt3A_368 : vector<16xf32>
        %jit3A_370 = arith.constant 1 : i32
        %jit3A_371 = arith.constant 0 : i32
        %broadcast_in_dim3A_372 = vector.broadcast %jit3A_370 : i32 to vector<16xi32>
        %broadcast_in_dim3A_373 = vector.broadcast %jit3A_371 : i32 to vector<16xi32>
        %select_n3A_374 = arith.select %gt3A_369, %broadcast_in_dim3A_372, %broadcast_in_dim3A_373 : vector<16xi1>, vector<16xi32>
        %add3A_375 = arith.addi %add3A_366, %select_n3A_374 : vector<16xi32>
        %gt3A_376 = arith.constant 0.533333361 : f32
        %gt3A_377 = vector.broadcast %gt3A_376 : f32 to vector<16xf32>
        %gt3A_378 = arith.cmpf ogt, %get3A_308, %gt3A_377 : vector<16xf32>
        %jit3A_379 = arith.constant 1 : i32
        %jit3A_380 = arith.constant 0 : i32
        %broadcast_in_dim3A_381 = vector.broadcast %jit3A_379 : i32 to vector<16xi32>
        %broadcast_in_dim3A_382 = vector.broadcast %jit3A_380 : i32 to vector<16xi32>
        %select_n3A_383 = arith.select %gt3A_378, %broadcast_in_dim3A_381, %broadcast_in_dim3A_382 : vector<16xi1>, vector<16xi32>
        %add3A_384 = arith.addi %add3A_375, %select_n3A_383 : vector<16xi32>
        %gt3A_385 = arith.constant 6.000000e-01 : f32
        %gt3A_386 = vector.broadcast %gt3A_385 : f32 to vector<16xf32>
        %gt3A_387 = arith.cmpf ogt, %get3A_308, %gt3A_386 : vector<16xf32>
        %jit3A_388 = arith.constant 1 : i32
        %jit3A_389 = arith.constant 0 : i32
        %broadcast_in_dim3A_390 = vector.broadcast %jit3A_388 : i32 to vector<16xi32>
        %broadcast_in_dim3A_391 = vector.broadcast %jit3A_389 : i32 to vector<16xi32>
        %select_n3A_392 = arith.select %gt3A_387, %broadcast_in_dim3A_390, %broadcast_in_dim3A_391 : vector<16xi1>, vector<16xi32>
        %add3A_393 = arith.addi %add3A_384, %select_n3A_392 : vector<16xi32>
        %gt3A_394 = arith.constant 0.666666686 : f32
        %gt3A_395 = vector.broadcast %gt3A_394 : f32 to vector<16xf32>
        %gt3A_396 = arith.cmpf ogt, %get3A_308, %gt3A_395 : vector<16xf32>
        %jit3A_397 = arith.constant 1 : i32
        %jit3A_398 = arith.constant 0 : i32
        %broadcast_in_dim3A_399 = vector.broadcast %jit3A_397 : i32 to vector<16xi32>
        %broadcast_in_dim3A_400 = vector.broadcast %jit3A_398 : i32 to vector<16xi32>
        %select_n3A_401 = arith.select %gt3A_396, %broadcast_in_dim3A_399, %broadcast_in_dim3A_400 : vector<16xi1>, vector<16xi32>
        %add3A_402 = arith.addi %add3A_393, %select_n3A_401 : vector<16xi32>
        %gt3A_403 = arith.constant 0.733333349 : f32
        %gt3A_404 = vector.broadcast %gt3A_403 : f32 to vector<16xf32>
        %gt3A_405 = arith.cmpf ogt, %get3A_308, %gt3A_404 : vector<16xf32>
        %jit3A_406 = arith.constant 1 : i32
        %jit3A_407 = arith.constant 0 : i32
        %broadcast_in_dim3A_408 = vector.broadcast %jit3A_406 : i32 to vector<16xi32>
        %broadcast_in_dim3A_409 = vector.broadcast %jit3A_407 : i32 to vector<16xi32>
        %select_n3A_410 = arith.select %gt3A_405, %broadcast_in_dim3A_408, %broadcast_in_dim3A_409 : vector<16xi1>, vector<16xi32>
        %add3A_411 = arith.addi %add3A_402, %select_n3A_410 : vector<16xi32>
        %gt3A_412 = arith.constant 8.000000e-01 : f32
        %gt3A_413 = vector.broadcast %gt3A_412 : f32 to vector<16xf32>
        %gt3A_414 = arith.cmpf ogt, %get3A_308, %gt3A_413 : vector<16xf32>
        %jit3A_415 = arith.constant 1 : i32
        %jit3A_416 = arith.constant 0 : i32
        %broadcast_in_dim3A_417 = vector.broadcast %jit3A_415 : i32 to vector<16xi32>
        %broadcast_in_dim3A_418 = vector.broadcast %jit3A_416 : i32 to vector<16xi32>
        %select_n3A_419 = arith.select %gt3A_414, %broadcast_in_dim3A_417, %broadcast_in_dim3A_418 : vector<16xi1>, vector<16xi32>
        %add3A_420 = arith.addi %add3A_411, %select_n3A_419 : vector<16xi32>
        %gt3A_421 = arith.constant 0.866666674 : f32
        %gt3A_422 = vector.broadcast %gt3A_421 : f32 to vector<16xf32>
        %gt3A_423 = arith.cmpf ogt, %get3A_308, %gt3A_422 : vector<16xf32>
        %jit3A_424 = arith.constant 1 : i32
        %jit3A_425 = arith.constant 0 : i32
        %broadcast_in_dim3A_426 = vector.broadcast %jit3A_424 : i32 to vector<16xi32>
        %broadcast_in_dim3A_427 = vector.broadcast %jit3A_425 : i32 to vector<16xi32>
        %select_n3A_428 = arith.select %gt3A_423, %broadcast_in_dim3A_426, %broadcast_in_dim3A_427 : vector<16xi1>, vector<16xi32>
        %add3A_429 = arith.addi %add3A_420, %select_n3A_428 : vector<16xi32>
        %gt3A_430 = arith.constant 0.933333337 : f32
        %gt3A_431 = vector.broadcast %gt3A_430 : f32 to vector<16xf32>
        %gt3A_432 = arith.cmpf ogt, %get3A_308, %gt3A_431 : vector<16xf32>
        %jit3A_433 = arith.constant 1 : i32
        %jit3A_434 = arith.constant 0 : i32
        %broadcast_in_dim3A_435 = vector.broadcast %jit3A_433 : i32 to vector<16xi32>
        %broadcast_in_dim3A_436 = vector.broadcast %jit3A_434 : i32 to vector<16xi32>
        %select_n3A_437 = arith.select %gt3A_432, %broadcast_in_dim3A_435, %broadcast_in_dim3A_436 : vector<16xi1>, vector<16xi32>
        %add3A_438 = arith.addi %add3A_429, %select_n3A_437 : vector<16xi32>
        tpu.vector_store_idx %arg7[%add3A_438], %broadcast_in_dim3A_5 {add = true} : memref<16xf32, #tpu.memory_space<vmem>>[vector<16xi32>], vector<16xf32>,
        tpu.vector_store_idx %arg8[%add3A_438], %get3A_308 {add = true} : memref<16xf32, #tpu.memory_space<vmem>>[vector<16xi32>], vector<16xf32>,
        tpu.vector_store_idx %arg9[%add3A_438], %get3A_310 {add = true} : memref<16xf32, #tpu.memory_space<vmem>>[vector<16xi32>], vector<16xf32>,
        %mul3A_439 = arith.constant 64 : i32
        %mul3A_440 = arith.muli %scan3A_34, %mul3A_439 : i32
        %add3A_441 = arith.constant 48 : i32
        %add3A_442 = arith.addi %mul3A_440, %add3A_441 : i32
        %get3A_443 = arith.index_cast %add3A_442 : i32 to index
        %get3A_444 = tpu.vector_load %arg5[%get3A_443] {strides = array<i32>} : memref<1024xf32, #tpu.memory_space<vmem>>, vector<16xf32>,
        %get3A_445 = arith.index_cast %add3A_442 : i32 to index
        %get3A_446 = tpu.vector_load %arg6[%get3A_445] {strides = array<i32>} : memref<1024xf32, #tpu.memory_space<vmem>>, vector<16xf32>,
        %broadcast_in_dim3A_447 = arith.constant 0 : i32
        %broadcast_in_dim3A_448 = vector.broadcast %broadcast_in_dim3A_447 : i32 to vector<16xi32>
        %gt3A_449 = arith.constant 0.0666666701 : f32
        %gt3A_450 = vector.broadcast %gt3A_449 : f32 to vector<16xf32>
        %gt3A_451 = arith.cmpf ogt, %get3A_444, %gt3A_450 : vector<16xf32>
        %jit3A_452 = arith.constant 1 : i32
        %jit3A_453 = arith.constant 0 : i32
        %broadcast_in_dim3A_454 = vector.broadcast %jit3A_452 : i32 to vector<16xi32>
        %broadcast_in_dim3A_455 = vector.broadcast %jit3A_453 : i32 to vector<16xi32>
        %select_n3A_456 = arith.select %gt3A_451, %broadcast_in_dim3A_454, %broadcast_in_dim3A_455 : vector<16xi1>, vector<16xi32>
        %add3A_457 = arith.addi %broadcast_in_dim3A_448, %select_n3A_456 : vector<16xi32>
        %gt3A_458 = arith.constant 0.13333334 : f32
        %gt3A_459 = vector.broadcast %gt3A_458 : f32 to vector<16xf32>
        %gt3A_460 = arith.cmpf ogt, %get3A_444, %gt3A_459 : vector<16xf32>
        %jit3A_461 = arith.constant 1 : i32
        %jit3A_462 = arith.constant 0 : i32
        %broadcast_in_dim3A_463 = vector.broadcast %jit3A_461 : i32 to vector<16xi32>
        %broadcast_in_dim3A_464 = vector.broadcast %jit3A_462 : i32 to vector<16xi32>
        %select_n3A_465 = arith.select %gt3A_460, %broadcast_in_dim3A_463, %broadcast_in_dim3A_464 : vector<16xi1>, vector<16xi32>
        %add3A_466 = arith.addi %add3A_457, %select_n3A_465 : vector<16xi32>
        %gt3A_467 = arith.constant 2.000000e-01 : f32
        %gt3A_468 = vector.broadcast %gt3A_467 : f32 to vector<16xf32>
        %gt3A_469 = arith.cmpf ogt, %get3A_444, %gt3A_468 : vector<16xf32>
        %jit3A_470 = arith.constant 1 : i32
        %jit3A_471 = arith.constant 0 : i32
        %broadcast_in_dim3A_472 = vector.broadcast %jit3A_470 : i32 to vector<16xi32>
        %broadcast_in_dim3A_473 = vector.broadcast %jit3A_471 : i32 to vector<16xi32>
        %select_n3A_474 = arith.select %gt3A_469, %broadcast_in_dim3A_472, %broadcast_in_dim3A_473 : vector<16xi1>, vector<16xi32>
        %add3A_475 = arith.addi %add3A_466, %select_n3A_474 : vector<16xi32>
        %gt3A_476 = arith.constant 0.266666681 : f32
        %gt3A_477 = vector.broadcast %gt3A_476 : f32 to vector<16xf32>
        %gt3A_478 = arith.cmpf ogt, %get3A_444, %gt3A_477 : vector<16xf32>
        %jit3A_479 = arith.constant 1 : i32
        %jit3A_480 = arith.constant 0 : i32
        %broadcast_in_dim3A_481 = vector.broadcast %jit3A_479 : i32 to vector<16xi32>
        %broadcast_in_dim3A_482 = vector.broadcast %jit3A_480 : i32 to vector<16xi32>
        %select_n3A_483 = arith.select %gt3A_478, %broadcast_in_dim3A_481, %broadcast_in_dim3A_482 : vector<16xi1>, vector<16xi32>
        %add3A_484 = arith.addi %add3A_475, %select_n3A_483 : vector<16xi32>
        %gt3A_485 = arith.constant 0.333333343 : f32
        %gt3A_486 = vector.broadcast %gt3A_485 : f32 to vector<16xf32>
        %gt3A_487 = arith.cmpf ogt, %get3A_444, %gt3A_486 : vector<16xf32>
        %jit3A_488 = arith.constant 1 : i32
        %jit3A_489 = arith.constant 0 : i32
        %broadcast_in_dim3A_490 = vector.broadcast %jit3A_488 : i32 to vector<16xi32>
        %broadcast_in_dim3A_491 = vector.broadcast %jit3A_489 : i32 to vector<16xi32>
        %select_n3A_492 = arith.select %gt3A_487, %broadcast_in_dim3A_490, %broadcast_in_dim3A_491 : vector<16xi1>, vector<16xi32>
        %add3A_493 = arith.addi %add3A_484, %select_n3A_492 : vector<16xi32>
        %gt3A_494 = arith.constant 4.000000e-01 : f32
        %gt3A_495 = vector.broadcast %gt3A_494 : f32 to vector<16xf32>
        %gt3A_496 = arith.cmpf ogt, %get3A_444, %gt3A_495 : vector<16xf32>
        %jit3A_497 = arith.constant 1 : i32
        %jit3A_498 = arith.constant 0 : i32
        %broadcast_in_dim3A_499 = vector.broadcast %jit3A_497 : i32 to vector<16xi32>
        %broadcast_in_dim3A_500 = vector.broadcast %jit3A_498 : i32 to vector<16xi32>
        %select_n3A_501 = arith.select %gt3A_496, %broadcast_in_dim3A_499, %broadcast_in_dim3A_500 : vector<16xi1>, vector<16xi32>
        %add3A_502 = arith.addi %add3A_493, %select_n3A_501 : vector<16xi32>
        %gt3A_503 = arith.constant 0.466666669 : f32
        %gt3A_504 = vector.broadcast %gt3A_503 : f32 to vector<16xf32>
        %gt3A_505 = arith.cmpf ogt, %get3A_444, %gt3A_504 : vector<16xf32>
        %jit3A_506 = arith.constant 1 : i32
        %jit3A_507 = arith.constant 0 : i32
        %broadcast_in_dim3A_508 = vector.broadcast %jit3A_506 : i32 to vector<16xi32>
        %broadcast_in_dim3A_509 = vector.broadcast %jit3A_507 : i32 to vector<16xi32>
        %select_n3A_510 = arith.select %gt3A_505, %broadcast_in_dim3A_508, %broadcast_in_dim3A_509 : vector<16xi1>, vector<16xi32>
        %add3A_511 = arith.addi %add3A_502, %select_n3A_510 : vector<16xi32>
        %gt3A_512 = arith.constant 0.533333361 : f32
        %gt3A_513 = vector.broadcast %gt3A_512 : f32 to vector<16xf32>
        %gt3A_514 = arith.cmpf ogt, %get3A_444, %gt3A_513 : vector<16xf32>
        %jit3A_515 = arith.constant 1 : i32
        %jit3A_516 = arith.constant 0 : i32
        %broadcast_in_dim3A_517 = vector.broadcast %jit3A_515 : i32 to vector<16xi32>
        %broadcast_in_dim3A_518 = vector.broadcast %jit3A_516 : i32 to vector<16xi32>
        %select_n3A_519 = arith.select %gt3A_514, %broadcast_in_dim3A_517, %broadcast_in_dim3A_518 : vector<16xi1>, vector<16xi32>
        %add3A_520 = arith.addi %add3A_511, %select_n3A_519 : vector<16xi32>
        %gt3A_521 = arith.constant 6.000000e-01 : f32
        %gt3A_522 = vector.broadcast %gt3A_521 : f32 to vector<16xf32>
        %gt3A_523 = arith.cmpf ogt, %get3A_444, %gt3A_522 : vector<16xf32>
        %jit3A_524 = arith.constant 1 : i32
        %jit3A_525 = arith.constant 0 : i32
        %broadcast_in_dim3A_526 = vector.broadcast %jit3A_524 : i32 to vector<16xi32>
        %broadcast_in_dim3A_527 = vector.broadcast %jit3A_525 : i32 to vector<16xi32>
        %select_n3A_528 = arith.select %gt3A_523, %broadcast_in_dim3A_526, %broadcast_in_dim3A_527 : vector<16xi1>, vector<16xi32>
        %add3A_529 = arith.addi %add3A_520, %select_n3A_528 : vector<16xi32>
        %gt3A_530 = arith.constant 0.666666686 : f32
        %gt3A_531 = vector.broadcast %gt3A_530 : f32 to vector<16xf32>
        %gt3A_532 = arith.cmpf ogt, %get3A_444, %gt3A_531 : vector<16xf32>
        %jit3A_533 = arith.constant 1 : i32
        %jit3A_534 = arith.constant 0 : i32
        %broadcast_in_dim3A_535 = vector.broadcast %jit3A_533 : i32 to vector<16xi32>
        %broadcast_in_dim3A_536 = vector.broadcast %jit3A_534 : i32 to vector<16xi32>
        %select_n3A_537 = arith.select %gt3A_532, %broadcast_in_dim3A_535, %broadcast_in_dim3A_536 : vector<16xi1>, vector<16xi32>
        %add3A_538 = arith.addi %add3A_529, %select_n3A_537 : vector<16xi32>
        %gt3A_539 = arith.constant 0.733333349 : f32
        %gt3A_540 = vector.broadcast %gt3A_539 : f32 to vector<16xf32>
        %gt3A_541 = arith.cmpf ogt, %get3A_444, %gt3A_540 : vector<16xf32>
        %jit3A_542 = arith.constant 1 : i32
        %jit3A_543 = arith.constant 0 : i32
        %broadcast_in_dim3A_544 = vector.broadcast %jit3A_542 : i32 to vector<16xi32>
        %broadcast_in_dim3A_545 = vector.broadcast %jit3A_543 : i32 to vector<16xi32>
        %select_n3A_546 = arith.select %gt3A_541, %broadcast_in_dim3A_544, %broadcast_in_dim3A_545 : vector<16xi1>, vector<16xi32>
        %add3A_547 = arith.addi %add3A_538, %select_n3A_546 : vector<16xi32>
        %gt3A_548 = arith.constant 8.000000e-01 : f32
        %gt3A_549 = vector.broadcast %gt3A_548 : f32 to vector<16xf32>
        %gt3A_550 = arith.cmpf ogt, %get3A_444, %gt3A_549 : vector<16xf32>
        %jit3A_551 = arith.constant 1 : i32
        %jit3A_552 = arith.constant 0 : i32
        %broadcast_in_dim3A_553 = vector.broadcast %jit3A_551 : i32 to vector<16xi32>
        %broadcast_in_dim3A_554 = vector.broadcast %jit3A_552 : i32 to vector<16xi32>
        %select_n3A_555 = arith.select %gt3A_550, %broadcast_in_dim3A_553, %broadcast_in_dim3A_554 : vector<16xi1>, vector<16xi32>
        %add3A_556 = arith.addi %add3A_547, %select_n3A_555 : vector<16xi32>
        %gt3A_557 = arith.constant 0.866666674 : f32
        %gt3A_558 = vector.broadcast %gt3A_557 : f32 to vector<16xf32>
        %gt3A_559 = arith.cmpf ogt, %get3A_444, %gt3A_558 : vector<16xf32>
        %jit3A_560 = arith.constant 1 : i32
        %jit3A_561 = arith.constant 0 : i32
        %broadcast_in_dim3A_562 = vector.broadcast %jit3A_560 : i32 to vector<16xi32>
        %broadcast_in_dim3A_563 = vector.broadcast %jit3A_561 : i32 to vector<16xi32>
        %select_n3A_564 = arith.select %gt3A_559, %broadcast_in_dim3A_562, %broadcast_in_dim3A_563 : vector<16xi1>, vector<16xi32>
        %add3A_565 = arith.addi %add3A_556, %select_n3A_564 : vector<16xi32>
        %gt3A_566 = arith.constant 0.933333337 : f32
        %gt3A_567 = vector.broadcast %gt3A_566 : f32 to vector<16xf32>
        %gt3A_568 = arith.cmpf ogt, %get3A_444, %gt3A_567 : vector<16xf32>
        %jit3A_569 = arith.constant 1 : i32
        %jit3A_570 = arith.constant 0 : i32
        %broadcast_in_dim3A_571 = vector.broadcast %jit3A_569 : i32 to vector<16xi32>
        %broadcast_in_dim3A_572 = vector.broadcast %jit3A_570 : i32 to vector<16xi32>
        %select_n3A_573 = arith.select %gt3A_568, %broadcast_in_dim3A_571, %broadcast_in_dim3A_572 : vector<16xi1>, vector<16xi32>
        %add3A_574 = arith.addi %add3A_565, %select_n3A_573 : vector<16xi32>
        tpu.vector_store_idx %arg7[%add3A_574], %broadcast_in_dim3A_5 {add = true} : memref<16xf32, #tpu.memory_space<vmem>>[vector<16xi32>], vector<16xf32>,
        tpu.vector_store_idx %arg8[%add3A_574], %get3A_444 {add = true} : memref<16xf32, #tpu.memory_space<vmem>>[vector<16xi32>], vector<16xf32>,
        tpu.vector_store_idx %arg9[%add3A_574], %get3A_446 {add = true} : memref<16xf32, #tpu.memory_space<vmem>>[vector<16xi32>], vector<16xf32>,
      }
      %scan3A_15 = arith.constant 16 : i32
      %get3A = arith.constant 0 : index
      %get3A_16 = tpu.vector_load %arg7[%get3A] {strides = array<i32>} : memref<16xf32, #tpu.memory_space<vmem>>, vector<16xf32>,
      %swap3A_17 = arith.constant 0 : index
      %swap3A_18 = tpu.vector_load %arg10[%swap3A_17] {strides = array<i32>} : memref<48xf32, #tpu.memory_space<vmem>>, vector<16xf32>,
      tpu.vector_store %arg10[%swap3A_17], %get3A_16 {strides = array<i32>} : memref<48xf32, #tpu.memory_space<vmem>>, vector<16xf32>,
      %get3A_19 = arith.constant 0 : index
      %get3A_20 = tpu.vector_load %arg8[%get3A_19] {strides = array<i32>} : memref<16xf32, #tpu.memory_space<vmem>>, vector<16xf32>,
      %swap3A_21 = arith.constant 16 : index
      %swap3A_22 = tpu.vector_load %arg10[%swap3A_21] {strides = array<i32>} : memref<48xf32, #tpu.memory_space<vmem>>, vector<16xf32>,
      tpu.vector_store %arg10[%swap3A_21], %get3A_20 {strides = array<i32>} : memref<48xf32, #tpu.memory_space<vmem>>, vector<16xf32>,
      %get3A_23 = arith.constant 0 : index
      %get3A_24 = tpu.vector_load %arg9[%get3A_23] {strides = array<i32>} : memref<16xf32, #tpu.memory_space<vmem>>, vector<16xf32>,
      %swap3A_25 = arith.constant 32 : index
      %swap3A_26 = tpu.vector_load %arg10[%swap3A_25] {strides = array<i32>} : memref<48xf32, #tpu.memory_space<vmem>>, vector<16xf32>,
      tpu.vector_store %arg10[%swap3A_25], %get3A_24 {strides = array<i32>} : memref<48xf32, #tpu.memory_space<vmem>>, vector<16xf32>,
      %mul3A_27 = arith.constant 48 : i32
      %mul3A_28 = arith.muli %arg1, %mul3A_27 : i32
      "tpu.region"() ({
        %run_scoped3A = tpu.sem_alloc : memref<!tpu.dma_semaphore, #tpu.memory_space<semaphore_mem>>
        %dma_start3A = tpu.memref_slice %arg11[%mul3A_28] : memref<768xf32, #tpu.memory_space<vmem_shared>> -> memref<48xf32, #tpu.memory_space<vmem_shared>>
        %dma_start3A_34 = tpu.memref_slice %arg11[%mul3A_28] : memref<768xf32, #tpu.memory_space<vmem_shared>> -> memref<48xf32, #tpu.memory_space<vmem_shared>>
        tpu.enqueue_dma source(%arg10 : memref<48xf32, #tpu.memory_space<vmem>>) target(%dma_start3A_34 : memref<48xf32, #tpu.memory_space<vmem_shared>>) target_semaphore(%run_scoped3A : memref<!tpu.dma_semaphore, #tpu.memory_space<semaphore_mem>>)
        %dma_wait3A = tpu.memref_slice %arg11[%mul3A_28] : memref<768xf32, #tpu.memory_space<vmem_shared>> -> memref<48xf32, #tpu.memory_space<vmem_shared>>
        %dma_wait3A_35 = tpu.memref_slice %arg11[%mul3A_28] : memref<768xf32, #tpu.memory_space<vmem_shared>> -> memref<48xf32, #tpu.memory_space<vmem_shared>>
        tpu.wait_dma2 semaphore(%run_scoped3A : memref<!tpu.dma_semaphore, #tpu.memory_space<semaphore_mem>>) src(%arg10 : memref<48xf32, #tpu.memory_space<vmem>>) dst(%dma_wait3A_35 : memref<48xf32, #tpu.memory_space<vmem_shared>>)
        tpu.yield
      }) : () -> ()
      %barrier3A = arith.constant 0 : index
      tpu.barrier barrier_id(%barrier3A)
      %eq3A_29 = arith.constant 0 : i32
      %eq3A_30 = arith.cmpi eq, %arg1, %eq3A_29 : i32
      %convert_element_type3A_31 = arith.extui %eq3A_30 : i1 to i32
      %cond3A_32 = arith.constant 0 : i32
      %cond3A_33 = arith.cmpi ne, %convert_element_type3A_31, %cond3A_32 : i32
      scf.if %cond3A_33 {
        "tpu.region"() ({
          %run_scoped3A = tpu.sem_alloc : memref<!tpu.dma_semaphore, #tpu.memory_space<semaphore_mem>>
          tpu.enqueue_dma source(%arg11 : memref<768xf32, #tpu.memory_space<vmem_shared>>) target(%arg12 : memref<768xf32, #tpu.memory_space<vmem>>) target_semaphore(%run_scoped3A : memref<!tpu.dma_semaphore, #tpu.memory_space<semaphore_mem>>)
          tpu.wait_dma2 semaphore(%run_scoped3A : memref<!tpu.dma_semaphore, #tpu.memory_space<semaphore_mem>>) src(%arg11 : memref<768xf32, #tpu.memory_space<vmem_shared>>) dst(%arg12 : memref<768xf32, #tpu.memory_space<vmem>>)
          tpu.yield
        }) : () -> ()
        %broadcast_in_dim3A_34 = arith.constant 0.000000e+00 : f32
        %broadcast_in_dim3A_35 = vector.broadcast %broadcast_in_dim3A_34 : f32 to vector<16xf32>
        %broadcast_in_dim3A_36 = arith.constant 0.000000e+00 : f32
        %broadcast_in_dim3A_37 = vector.broadcast %broadcast_in_dim3A_36 : f32 to vector<16xf32>
        %broadcast_in_dim3A_38 = arith.constant 0.000000e+00 : f32
        %broadcast_in_dim3A_39 = vector.broadcast %broadcast_in_dim3A_38 : f32 to vector<16xf32>
        %get3A_40 = arith.constant 0 : index
        %get3A_41 = tpu.vector_load %arg12[%get3A_40] {strides = array<i32>} : memref<768xf32, #tpu.memory_space<vmem>>, vector<16xf32>,
        %add3A = arith.addf %broadcast_in_dim3A_35, %get3A_41 : vector<16xf32>
        %get3A_42 = arith.constant 16 : index
        %get3A_43 = tpu.vector_load %arg12[%get3A_42] {strides = array<i32>} : memref<768xf32, #tpu.memory_space<vmem>>, vector<16xf32>,
        %add3A_44 = arith.addf %broadcast_in_dim3A_37, %get3A_43 : vector<16xf32>
        %get3A_45 = arith.constant 32 : index
        %get3A_46 = tpu.vector_load %arg12[%get3A_45] {strides = array<i32>} : memref<768xf32, #tpu.memory_space<vmem>>, vector<16xf32>,
        %add3A_47 = arith.addf %broadcast_in_dim3A_39, %get3A_46 : vector<16xf32>
        %get3A_48 = arith.constant 48 : index
        %get3A_49 = tpu.vector_load %arg12[%get3A_48] {strides = array<i32>} : memref<768xf32, #tpu.memory_space<vmem>>, vector<16xf32>,
        %add3A_50 = arith.addf %add3A, %get3A_49 : vector<16xf32>
        %get3A_51 = arith.constant 64 : index
        %get3A_52 = tpu.vector_load %arg12[%get3A_51] {strides = array<i32>} : memref<768xf32, #tpu.memory_space<vmem>>, vector<16xf32>,
        %add3A_53 = arith.addf %add3A_44, %get3A_52 : vector<16xf32>
        %get3A_54 = arith.constant 80 : index
        %get3A_55 = tpu.vector_load %arg12[%get3A_54] {strides = array<i32>} : memref<768xf32, #tpu.memory_space<vmem>>, vector<16xf32>,
        %add3A_56 = arith.addf %add3A_47, %get3A_55 : vector<16xf32>
        %get3A_57 = arith.constant 96 : index
        %get3A_58 = tpu.vector_load %arg12[%get3A_57] {strides = array<i32>} : memref<768xf32, #tpu.memory_space<vmem>>, vector<16xf32>,
        %add3A_59 = arith.addf %add3A_50, %get3A_58 : vector<16xf32>
        %get3A_60 = arith.constant 112 : index
        %get3A_61 = tpu.vector_load %arg12[%get3A_60] {strides = array<i32>} : memref<768xf32, #tpu.memory_space<vmem>>, vector<16xf32>,
        %add3A_62 = arith.addf %add3A_53, %get3A_61 : vector<16xf32>
        %get3A_63 = arith.constant 128 : index
        %get3A_64 = tpu.vector_load %arg12[%get3A_63] {strides = array<i32>} : memref<768xf32, #tpu.memory_space<vmem>>, vector<16xf32>,
        %add3A_65 = arith.addf %add3A_56, %get3A_64 : vector<16xf32>
        %get3A_66 = arith.constant 144 : index
        %get3A_67 = tpu.vector_load %arg12[%get3A_66] {strides = array<i32>} : memref<768xf32, #tpu.memory_space<vmem>>, vector<16xf32>,
        %add3A_68 = arith.addf %add3A_59, %get3A_67 : vector<16xf32>
        %get3A_69 = arith.constant 160 : index
        %get3A_70 = tpu.vector_load %arg12[%get3A_69] {strides = array<i32>} : memref<768xf32, #tpu.memory_space<vmem>>, vector<16xf32>,
        %add3A_71 = arith.addf %add3A_62, %get3A_70 : vector<16xf32>
        %get3A_72 = arith.constant 176 : index
        %get3A_73 = tpu.vector_load %arg12[%get3A_72] {strides = array<i32>} : memref<768xf32, #tpu.memory_space<vmem>>, vector<16xf32>,
        %add3A_74 = arith.addf %add3A_65, %get3A_73 : vector<16xf32>
        %get3A_75 = arith.constant 192 : index
        %get3A_76 = tpu.vector_load %arg12[%get3A_75] {strides = array<i32>} : memref<768xf32, #tpu.memory_space<vmem>>, vector<16xf32>,
        %add3A_77 = arith.addf %add3A_68, %get3A_76 : vector<16xf32>
        %get3A_78 = arith.constant 208 : index
        %get3A_79 = tpu.vector_load %arg12[%get3A_78] {strides = array<i32>} : memref<768xf32, #tpu.memory_space<vmem>>, vector<16xf32>,
        %add3A_80 = arith.addf %add3A_71, %get3A_79 : vector<16xf32>
        %get3A_81 = arith.constant 224 : index
        %get3A_82 = tpu.vector_load %arg12[%get3A_81] {strides = array<i32>} : memref<768xf32, #tpu.memory_space<vmem>>, vector<16xf32>,
        %add3A_83 = arith.addf %add3A_74, %get3A_82 : vector<16xf32>
        %get3A_84 = arith.constant 240 : index
        %get3A_85 = tpu.vector_load %arg12[%get3A_84] {strides = array<i32>} : memref<768xf32, #tpu.memory_space<vmem>>, vector<16xf32>,
        %add3A_86 = arith.addf %add3A_77, %get3A_85 : vector<16xf32>
        %get3A_87 = arith.constant 256 : index
        %get3A_88 = tpu.vector_load %arg12[%get3A_87] {strides = array<i32>} : memref<768xf32, #tpu.memory_space<vmem>>, vector<16xf32>,
        %add3A_89 = arith.addf %add3A_80, %get3A_88 : vector<16xf32>
        %get3A_90 = arith.constant 272 : index
        %get3A_91 = tpu.vector_load %arg12[%get3A_90] {strides = array<i32>} : memref<768xf32, #tpu.memory_space<vmem>>, vector<16xf32>,
        %add3A_92 = arith.addf %add3A_83, %get3A_91 : vector<16xf32>
        %get3A_93 = arith.constant 288 : index
        %get3A_94 = tpu.vector_load %arg12[%get3A_93] {strides = array<i32>} : memref<768xf32, #tpu.memory_space<vmem>>, vector<16xf32>,
        %add3A_95 = arith.addf %add3A_86, %get3A_94 : vector<16xf32>
        %get3A_96 = arith.constant 304 : index
        %get3A_97 = tpu.vector_load %arg12[%get3A_96] {strides = array<i32>} : memref<768xf32, #tpu.memory_space<vmem>>, vector<16xf32>,
        %add3A_98 = arith.addf %add3A_89, %get3A_97 : vector<16xf32>
        %get3A_99 = arith.constant 320 : index
        %get3A_100 = tpu.vector_load %arg12[%get3A_99] {strides = array<i32>} : memref<768xf32, #tpu.memory_space<vmem>>, vector<16xf32>,
        %add3A_101 = arith.addf %add3A_92, %get3A_100 : vector<16xf32>
        %get3A_102 = arith.constant 336 : index
        %get3A_103 = tpu.vector_load %arg12[%get3A_102] {strides = array<i32>} : memref<768xf32, #tpu.memory_space<vmem>>, vector<16xf32>,
        %add3A_104 = arith.addf %add3A_95, %get3A_103 : vector<16xf32>
        %get3A_105 = arith.constant 352 : index
        %get3A_106 = tpu.vector_load %arg12[%get3A_105] {strides = array<i32>} : memref<768xf32, #tpu.memory_space<vmem>>, vector<16xf32>,
        %add3A_107 = arith.addf %add3A_98, %get3A_106 : vector<16xf32>
        %get3A_108 = arith.constant 368 : index
        %get3A_109 = tpu.vector_load %arg12[%get3A_108] {strides = array<i32>} : memref<768xf32, #tpu.memory_space<vmem>>, vector<16xf32>,
        %add3A_110 = arith.addf %add3A_101, %get3A_109 : vector<16xf32>
        %get3A_111 = arith.constant 384 : index
        %get3A_112 = tpu.vector_load %arg12[%get3A_111] {strides = array<i32>} : memref<768xf32, #tpu.memory_space<vmem>>, vector<16xf32>,
        %add3A_113 = arith.addf %add3A_104, %get3A_112 : vector<16xf32>
        %get3A_114 = arith.constant 400 : index
        %get3A_115 = tpu.vector_load %arg12[%get3A_114] {strides = array<i32>} : memref<768xf32, #tpu.memory_space<vmem>>, vector<16xf32>,
        %add3A_116 = arith.addf %add3A_107, %get3A_115 : vector<16xf32>
        %get3A_117 = arith.constant 416 : index
        %get3A_118 = tpu.vector_load %arg12[%get3A_117] {strides = array<i32>} : memref<768xf32, #tpu.memory_space<vmem>>, vector<16xf32>,
        %add3A_119 = arith.addf %add3A_110, %get3A_118 : vector<16xf32>
        %get3A_120 = arith.constant 432 : index
        %get3A_121 = tpu.vector_load %arg12[%get3A_120] {strides = array<i32>} : memref<768xf32, #tpu.memory_space<vmem>>, vector<16xf32>,
        %add3A_122 = arith.addf %add3A_113, %get3A_121 : vector<16xf32>
        %get3A_123 = arith.constant 448 : index
        %get3A_124 = tpu.vector_load %arg12[%get3A_123] {strides = array<i32>} : memref<768xf32, #tpu.memory_space<vmem>>, vector<16xf32>,
        %add3A_125 = arith.addf %add3A_116, %get3A_124 : vector<16xf32>
        %get3A_126 = arith.constant 464 : index
        %get3A_127 = tpu.vector_load %arg12[%get3A_126] {strides = array<i32>} : memref<768xf32, #tpu.memory_space<vmem>>, vector<16xf32>,
        %add3A_128 = arith.addf %add3A_119, %get3A_127 : vector<16xf32>
        %get3A_129 = arith.constant 480 : index
        %get3A_130 = tpu.vector_load %arg12[%get3A_129] {strides = array<i32>} : memref<768xf32, #tpu.memory_space<vmem>>, vector<16xf32>,
        %add3A_131 = arith.addf %add3A_122, %get3A_130 : vector<16xf32>
        %get3A_132 = arith.constant 496 : index
        %get3A_133 = tpu.vector_load %arg12[%get3A_132] {strides = array<i32>} : memref<768xf32, #tpu.memory_space<vmem>>, vector<16xf32>,
        %add3A_134 = arith.addf %add3A_125, %get3A_133 : vector<16xf32>
        %get3A_135 = arith.constant 512 : index
        %get3A_136 = tpu.vector_load %arg12[%get3A_135] {strides = array<i32>} : memref<768xf32, #tpu.memory_space<vmem>>, vector<16xf32>,
        %add3A_137 = arith.addf %add3A_128, %get3A_136 : vector<16xf32>
        %get3A_138 = arith.constant 528 : index
        %get3A_139 = tpu.vector_load %arg12[%get3A_138] {strides = array<i32>} : memref<768xf32, #tpu.memory_space<vmem>>, vector<16xf32>,
        %add3A_140 = arith.addf %add3A_131, %get3A_139 : vector<16xf32>
        %get3A_141 = arith.constant 544 : index
        %get3A_142 = tpu.vector_load %arg12[%get3A_141] {strides = array<i32>} : memref<768xf32, #tpu.memory_space<vmem>>, vector<16xf32>,
        %add3A_143 = arith.addf %add3A_134, %get3A_142 : vector<16xf32>
        %get3A_144 = arith.constant 560 : index
        %get3A_145 = tpu.vector_load %arg12[%get3A_144] {strides = array<i32>} : memref<768xf32, #tpu.memory_space<vmem>>, vector<16xf32>,
        %add3A_146 = arith.addf %add3A_137, %get3A_145 : vector<16xf32>
        %get3A_147 = arith.constant 576 : index
        %get3A_148 = tpu.vector_load %arg12[%get3A_147] {strides = array<i32>} : memref<768xf32, #tpu.memory_space<vmem>>, vector<16xf32>,
        %add3A_149 = arith.addf %add3A_140, %get3A_148 : vector<16xf32>
        %get3A_150 = arith.constant 592 : index
        %get3A_151 = tpu.vector_load %arg12[%get3A_150] {strides = array<i32>} : memref<768xf32, #tpu.memory_space<vmem>>, vector<16xf32>,
        %add3A_152 = arith.addf %add3A_143, %get3A_151 : vector<16xf32>
        %get3A_153 = arith.constant 608 : index
        %get3A_154 = tpu.vector_load %arg12[%get3A_153] {strides = array<i32>} : memref<768xf32, #tpu.memory_space<vmem>>, vector<16xf32>,
        %add3A_155 = arith.addf %add3A_146, %get3A_154 : vector<16xf32>
        %get3A_156 = arith.constant 624 : index
        %get3A_157 = tpu.vector_load %arg12[%get3A_156] {strides = array<i32>} : memref<768xf32, #tpu.memory_space<vmem>>, vector<16xf32>,
        %add3A_158 = arith.addf %add3A_149, %get3A_157 : vector<16xf32>
        %get3A_159 = arith.constant 640 : index
        %get3A_160 = tpu.vector_load %arg12[%get3A_159] {strides = array<i32>} : memref<768xf32, #tpu.memory_space<vmem>>, vector<16xf32>,
        %add3A_161 = arith.addf %add3A_152, %get3A_160 : vector<16xf32>
        %get3A_162 = arith.constant 656 : index
        %get3A_163 = tpu.vector_load %arg12[%get3A_162] {strides = array<i32>} : memref<768xf32, #tpu.memory_space<vmem>>, vector<16xf32>,
        %add3A_164 = arith.addf %add3A_155, %get3A_163 : vector<16xf32>
        %get3A_165 = arith.constant 672 : index
        %get3A_166 = tpu.vector_load %arg12[%get3A_165] {strides = array<i32>} : memref<768xf32, #tpu.memory_space<vmem>>, vector<16xf32>,
        %add3A_167 = arith.addf %add3A_158, %get3A_166 : vector<16xf32>
        %get3A_168 = arith.constant 688 : index
        %get3A_169 = tpu.vector_load %arg12[%get3A_168] {strides = array<i32>} : memref<768xf32, #tpu.memory_space<vmem>>, vector<16xf32>,
        %add3A_170 = arith.addf %add3A_161, %get3A_169 : vector<16xf32>
        %get3A_171 = arith.constant 704 : index
        %get3A_172 = tpu.vector_load %arg12[%get3A_171] {strides = array<i32>} : memref<768xf32, #tpu.memory_space<vmem>>, vector<16xf32>,
        %add3A_173 = arith.addf %add3A_164, %get3A_172 : vector<16xf32>
        %get3A_174 = arith.constant 720 : index
        %get3A_175 = tpu.vector_load %arg12[%get3A_174] {strides = array<i32>} : memref<768xf32, #tpu.memory_space<vmem>>, vector<16xf32>,
        %add3A_176 = arith.addf %add3A_167, %get3A_175 : vector<16xf32>
        %get3A_177 = arith.constant 736 : index
        %get3A_178 = tpu.vector_load %arg12[%get3A_177] {strides = array<i32>} : memref<768xf32, #tpu.memory_space<vmem>>, vector<16xf32>,
        %add3A_179 = arith.addf %add3A_170, %get3A_178 : vector<16xf32>
        %get3A_180 = arith.constant 752 : index
        %get3A_181 = tpu.vector_load %arg12[%get3A_180] {strides = array<i32>} : memref<768xf32, #tpu.memory_space<vmem>>, vector<16xf32>,
        %add3A_182 = arith.addf %add3A_173, %get3A_181 : vector<16xf32>
        %max3A = arith.constant 1.000000e+00 : f32
        %max3A_183 = vector.broadcast %max3A : f32 to vector<16xf32>
        %max3A_184 = arith.maximumf %add3A_176, %max3A_183 : vector<16xf32>
        %gt3A = arith.constant 0.000000e+00 : f32
        %gt3A_185 = vector.broadcast %gt3A : f32 to vector<16xf32>
        %gt3A_186 = arith.cmpf ogt, %add3A_176, %gt3A_185 : vector<16xf32>
        %sub3A = arith.subf %add3A_179, %add3A_182 : vector<16xf32>
        %abs3A = math.absf %sub3A : vector<16xf32>
        %div3A = arith.divf %abs3A, %max3A_184 : vector<16xf32>
        %div3A_187 = arith.constant 1.638400e+04 : f32
        %div3A_188 = vector.broadcast %div3A_187 : f32 to vector<16xf32>
        %div3A_189 = arith.divf %add3A_176, %div3A_188 : vector<16xf32>
        %mul3A_190 = arith.mulf %div3A, %div3A_189 : vector<16xf32>
        %jit3A = arith.constant 0.000000e+00 : f32
        %broadcast_in_dim3A_191 = vector.broadcast %jit3A : f32 to vector<16xf32>
        %select_n3A = arith.select %gt3A_186, %mul3A_190, %broadcast_in_dim3A_191 : vector<16xi1>, vector<16xf32>
        %reduce_sum3A = arith.constant true
        %reduce_sum3A_192 = vector.broadcast %reduce_sum3A : i1 to vector<16xi1>
        %reduce_sum3A_193 = tpu.scan <sum>, %select_n3A masked %reduce_sum3A_192 : vector<16xf32>, vector<16xi1> -> vector<16xf32>
        %reduce_sum3A_194 = vector.extract %reduce_sum3A_193[15] : f32 from vector<16xf32>
        %broadcast_in_dim3A_195 = arith.constant 1.000000e+00 : f32
        %broadcast_in_dim3A_196 = vector.broadcast %broadcast_in_dim3A_195 : f32 to vector<16xf32>
        %mul3A_197 = vector.broadcast %reduce_sum3A_194 : f32 to vector<16xf32>
        %mul3A_198 = arith.mulf %mul3A_197, %broadcast_in_dim3A_196 : vector<16xf32>
        %swap3A_199 = arith.constant 0 : index
        %swap3A_200 = tpu.vector_load %arg13[%swap3A_199] {strides = array<i32>} : memref<16xf32, #tpu.memory_space<vmem>>, vector<16xf32>,
        tpu.vector_store %arg13[%swap3A_199], %mul3A_198 {strides = array<i32>} : memref<16xf32, #tpu.memory_space<vmem>>, vector<16xf32>,
        "tpu.region"() ({
          %run_scoped3A = tpu.sem_alloc : memref<!tpu.dma_semaphore, #tpu.memory_space<semaphore_mem>>
          tpu.enqueue_dma source(%arg13 : memref<16xf32, #tpu.memory_space<vmem>>) target(%arg4 : memref<16xf32, #tpu.memory_space<hbm>>) target_semaphore(%run_scoped3A : memref<!tpu.dma_semaphore, #tpu.memory_space<semaphore_mem>>)
          tpu.wait_dma2 semaphore(%run_scoped3A : memref<!tpu.dma_semaphore, #tpu.memory_space<semaphore_mem>>) src(%arg13 : memref<16xf32, #tpu.memory_space<vmem>>) dst(%arg4 : memref<16xf32, #tpu.memory_space<hbm>>)
          tpu.yield
        }) : () -> ()
      } else {
      }
    } else {
    }
    return
  }
}

module attributes {stable_mosaic.version = 14 : i64} {
  func.func @_dense_body(%arg0: i32, %arg1: memref<1x1x2048xi32, #tpu.memory_space<vmem>>, %arg2: memref<1000x2048xf32, #tpu.memory_space<vmem>>, %arg3: memref<1x1x2048xf32, #tpu.memory_space<vmem>>, %arg4: memref<1x1x2048xf32, #tpu.memory_space<vmem>>) attributes {dimension_semantics = [#tpu.dimension_semantics<arbitrary>], iteration_bounds = array<i64: 8>, scalar_prefetch = 0 : i64, scratch_operands = 0 : i64, tpu.core_type = #tpu.core_type<tc>, window_params = [{transform_indices = @transform_0, window_bounds = array<i64: 1, 1, 2048>}, {transform_indices = @transform_1, window_bounds = array<i64: 1000, 2048>}, {transform_indices = @transform_2, window_bounds = array<i64: 1, 1, 2048>}, {transform_indices = @transform_3, window_bounds = array<i64: 1, 1, 2048>}]} {
    %get3A = arith.constant 0 : index
    %get3A_0 = arith.constant 0 : index
    %get3A_1 = vector.load %arg2[%get3A, %get3A_0] : memref<1000x2048xf32, #tpu.memory_space<vmem>>, vector<1000x2048xf32>
    %reduce_max3A = arith.constant dense<0xFF800000> : vector<2048xf32>
    %reduce_max3A_2 = vector.multi_reduction <maximumf>, %get3A_1, %reduce_max3A [0] : vector<1000x2048xf32> to vector<2048xf32>
    %broadcast_in_dim3A = vector.shape_cast %reduce_max3A_2 : vector<2048xf32> to vector<1x2048xf32>
    %exp3A = math.exp %get3A_1 : vector<1000x2048xf32>
    %reduce_sum3A = arith.constant dense<0.000000e+00> : vector<2048xf32>
    %reduce_sum3A_3 = vector.multi_reduction <add>, %exp3A, %reduce_sum3A [0] : vector<1000x2048xf32> to vector<2048xf32>
    %broadcast_in_dim3A_4 = vector.shape_cast %reduce_sum3A_3 : vector<2048xf32> to vector<1x2048xf32>
    %exp3A_5 = math.exp %broadcast_in_dim3A : vector<1x2048xf32>
    %div3A = arith.divf %exp3A_5, %broadcast_in_dim3A_4 : vector<1x2048xf32>
    %iota3A = tpu.iota {dimensions = array<i32: 0>} : vector<1000x2048xi32>
    %eq3A = vector.broadcast %broadcast_in_dim3A : vector<1x2048xf32> to vector<1000x2048xf32>
    %eq3A_6 = arith.cmpf oeq, %get3A_1, %eq3A : vector<1000x2048xf32>
    %jit3A = arith.constant 1000 : i32
    %broadcast_in_dim3A_7 = vector.broadcast %jit3A : i32 to vector<1000x2048xi32>
    %select_n3A = arith.select %eq3A_6, %iota3A, %broadcast_in_dim3A_7 : vector<1000x2048xi1>, vector<1000x2048xi32>
    %reduce_min3A = arith.constant dense<2147483647> : vector<2048xi32>
    %reduce_min3A_8 = vector.multi_reduction <minsi>, %select_n3A, %reduce_min3A [0] : vector<1000x2048xi32> to vector<2048xi32>
    %broadcast_in_dim3A_9 = vector.shape_cast %reduce_min3A_8 : vector<2048xi32> to vector<1x2048xi32>
    %get3A_10 = arith.constant 0 : index
    %get3A_11 = arith.constant 0 : index
    %get3A_12 = arith.constant 0 : index
    %get3A_13 = vector.load %arg1[%get3A_10, %get3A_11, %get3A_12] : memref<1x1x2048xi32, #tpu.memory_space<vmem>>, vector<1x1x2048xi32>
    %get3A_14 = vector.shape_cast %get3A_13 : vector<1x1x2048xi32> to vector<1x2048xi32>
    %eq3A_15 = arith.cmpi eq, %broadcast_in_dim3A_9, %get3A_14 : vector<1x2048xi32>
    %convert_element_type3A = arith.extui %eq3A_15 : vector<1x2048xi1> to vector<1x2048xi32>
    %convert_element_type3A_16 = arith.sitofp %convert_element_type3A : vector<1x2048xi32> to vector<1x2048xf32>
    %swap3A = arith.constant 0 : index
    %swap3A_17 = arith.constant 0 : index
    %swap3A_18 = arith.constant 0 : index
    %swap3A_19 = vector.load %arg3[%swap3A, %swap3A_17, %swap3A_18] : memref<1x1x2048xf32, #tpu.memory_space<vmem>>, vector<1x1x2048xf32>
    %swap3A_20 = vector.shape_cast %swap3A_19 : vector<1x1x2048xf32> to vector<1x2048xf32>
    %swap3A_21 = vector.shape_cast %div3A : vector<1x2048xf32> to vector<1x1x2048xf32>
    tpu.vector_store %arg3[%swap3A, %swap3A_17, %swap3A_18], %swap3A_21 {strides = array<i32>} : memref<1x1x2048xf32, #tpu.memory_space<vmem>>, vector<1x1x2048xf32>,
    %swap3A_22 = arith.constant 0 : index
    %swap3A_23 = arith.constant 0 : index
    %swap3A_24 = arith.constant 0 : index
    %swap3A_25 = vector.load %arg4[%swap3A_22, %swap3A_23, %swap3A_24] : memref<1x1x2048xf32, #tpu.memory_space<vmem>>, vector<1x1x2048xf32>
    %swap3A_26 = vector.shape_cast %swap3A_25 : vector<1x1x2048xf32> to vector<1x2048xf32>
    %swap3A_27 = vector.shape_cast %convert_element_type3A_16 : vector<1x2048xf32> to vector<1x1x2048xf32>
    tpu.vector_store %arg4[%swap3A_22, %swap3A_23, %swap3A_24], %swap3A_27 {strides = array<i32>} : memref<1x1x2048xf32, #tpu.memory_space<vmem>>, vector<1x1x2048xf32>,
    return
  }
  func.func @transform_0(%arg0: i32) -> (i32, i32, i32) {
    %c0_i32 = arith.constant 0 : i32
    %c0_i32_0 = arith.constant 0 : i32
    %c0_i32_1 = arith.constant 0 : i32
    return %arg0, %c0_i32, %c0_i32_0 : i32, i32, i32
  }
  func.func @transform_1(%arg0: i32) -> (i32, i32) {
    %c0_i32 = arith.constant 0 : i32
    %c0_i32_0 = arith.constant 0 : i32
    return %c0_i32, %arg0 : i32, i32
  }
  func.func @transform_2(%arg0: i32) -> (i32, i32, i32) {
    %c0_i32 = arith.constant 0 : i32
    %c0_i32_0 = arith.constant 0 : i32
    %c0_i32_1 = arith.constant 0 : i32
    return %arg0, %c0_i32, %c0_i32_0 : i32, i32, i32
  }
  func.func @transform_3(%arg0: i32) -> (i32, i32, i32) {
    %c0_i32 = arith.constant 0 : i32
    %c0_i32_0 = arith.constant 0 : i32
    %c0_i32_1 = arith.constant 0 : i32
    return %arg0, %c0_i32, %c0_i32_0 : i32, i32, i32
  }
}

</mosaic_0001>

<sc_bundles>
// kernel: kernel.4.cloned.1.call-start
scs
__scs_entry_jumppad:
0x0: {  	(pc) =	sbr.rel $0x88, $3  }
0x1: {  	(tag) =	ssettag $0x0;
	lr =	simm.s32 $0x1  }
0x2: {  	[smem:$0x3F9F] =	sst lr;
	_ =	strace $0xD0000000  }
0x3: {  	_ = 	snop  }
0x4: {  	_ = 	snop  }
0x5: {  	_ = 	snop  }
0x6: {  	_ = 	snop  }
0x7: {  	_ = 	snop  }
__scs_overlays_trampoline_lowered:
0x8: {  	[smem:$0x3FAE] =	sst s0  }
0x9: {  	[smem:$0x3FAF] =	sst s1  }
0xa: {  	[smem:$0x3FB0] =	sst s2  }
0xb: {  	[smem:$0x3FB1] =	sst s3  }
0xc: {  	[smem:$0x3FB2] =	sst s4  }
0xd: {  	[smem:$0x3FB3] =	sst s5  }
0xe: {  	[smem:$0x3FB4] =	sst s6  }
0xf: {  	[smem:$0x3FB5] =	sst s7  }
0x10: {  	[smem:$0x3FB6] =	sst s8  }
0x11: {  	[smem:$0x3FB7] =	sst s9;
	s0 =	simm.s32 @!p0 $0x0  }
0x12: {  	s1 =	sld [smem:$0x3F9D];
	s0 =	simm.s32 @p0 $0x1  }
0x13: {  	[smem:$0x3FB8] =	sst s0;
	s0 =	simm.s32 @!p1 $0x0  }
0x14: {  	s2 =	sld [smem:$0x3F9C];
	s0 =	simm.s32 @p1 $0x1  }
0x15: {  	[smem:$0x3FB9] =	sst s0;
	s0 =	simm.s32 @!p2 $0x0  }
0x16: {  	s3 =	sld [smem:$0x3FDB];
	s0 =	simm.s32 @p2 $0x1  }
0x17: {  	s4 =	simm.s32 $0x1BF5;
	[smem:$0x3FBB] =	sst s0  }
0x18: {  	s0 =	sld [smem:$0x3F9E];
	_ =	swait.ge [sflag:s4], $0x0  }
0x19: {  	s7 =	sld [smem:$0x3F9F]  }
0x1a: {  	s8 =	sadd.s32 $0xFFFFE003, lr  }
0x1b: {  	s9 =	sadd.s32 $0xFFFFFEF7, lr;
	s5 =	simm.s32 $0xFFFFFFFF;
	p2 =	slt.u32 s8, $0xFFFFF086  }
0x1c: {  	p1 =	slt.u32 s9, $0xF7A;
	s5 =	simm.s32 @!p2 $0x0  }
0x1d: {  	s5 =	simm.s32 @p1 $0x1;
	p0 =	seq.s32 s7, s2  }
0x1e: {  	s7 =	smul.u32 @!p0 $0xF7A, s2;
	p2 =	seq.s32 @!p0 s5, $0x0  }
0x1f: {  	s9 =	smul.u32 $0xF7A, s1;
	s8 =	simm.s32 @!p0 $0x1BF5;
	p2 =	por !p2, p0  }
0x20: {  	[sflag:s8] =	ssyncset.s32 @!p0 $0xFFFFF086;
	s6 =	sadd.s32 @!p0 s3, s7;
	s7 =	simm.s32 @!p0 $0x108  }
0x21: {  	s3 =	sadd.s32 s3, s9;
	s6 =	sadd.s32 @!p0 $0x88, s6;
	s7 =	simm.s32 @p2 $0x1082  }
0x22: {  	[simem:s7], [sflag:s8] =	dma.local @!p0 [hbm:s6], $0xF7A  }
0x23: {  	s9 =	sor.u32 $0xD0000000, s2;
	s6 =	simm.s32 $0x108;
	_ =	swait.ge @!p0 [sflag:s8], $0x0  }
0x24: {  	s3 =	sadd.s32 $0x88, s3;
	s6 =	simm.s32 @!p1 $0x1082;
	[sflag:s4] =	ssyncset.s32 $0xFFFFF086  }
0x25: {  	[simem:s6], [sflag:s4] =	dma.local [hbm:s3], $0xF7A  }
0x26: {  	[smem:$0x3F9F] =	sst s1;
	(tag) =	ssettag s2;
	_ =	strace s9  }
0x27: {  	s1 =	sld [smem:$0x3FAF]  }
0x28: {  	s2 =	sld [smem:$0x3FB0]  }
0x29: {  	s4 =	sld [smem:$0x3FB2]  }
0x2a: {  	p0 =	seq.s32 s5, $0x0;
	s5 =	sld [smem:$0x3FB3]  }
0x2b: {  	s6 =	sld [smem:$0x3FB4]  }
0x2c: {  	s7 =	sld [smem:$0x3FB5]  }
0x2d: {  	s3 =	simm.s32 $0x108;
	s8 =	sld [smem:$0x3FB6]  }
0x2e: {  	s3 =	simm.s32 @!p0 $0x1082;
	s9 =	sld [smem:$0x3FB7]  }
0x2f: {  	lr =	sadd.s32 s0, s3;
	s0 =	sld [smem:$0x3FAE]  }
0x30: {  	s3 =	sld [smem:$0x3FB1]  }
0x31: {  	[smem:$0x3FBA] =	sst s10  }
0x32: {  	s10 =	sld [smem:$0x3FB8];
	_ =	sdelay $0x3  }
0x33: {  	p0 =	seq.s32 s10, $0x1;
	s10 =	sld [smem:$0x3FBA];
	_ =	sdelay $0x3  }
0x34: {  	[smem:$0x3FBA] =	sst s10  }
0x35: {  	s10 =	sld [smem:$0x3FB9];
	_ =	sdelay $0x3  }
0x36: {  	p1 =	seq.s32 s10, $0x1;
	s10 =	sld [smem:$0x3FBA];
	_ =	sdelay $0x3  }
0x37: {  	[smem:$0x3FBA] =	sst s10  }
0x38: {  	s10 =	sld [smem:$0x3FBB]  }
0x39: {  	_ = 	snop;
	(pc) =	sbr.ind lr, $3  }
0x3a: {  	_ = 	snop  }
0x3b: {  	_ = 	snop  }
0x3c: {  	p2 =	seq.s32 s10, $0x1;
	s10 =	sld [smem:$0x3FBA]  }
0x3d: {  	_ =	shalt  }
0x3e: {  	_ =	shalt  }
0x3f: {  	_ =	shalt  }
0x40: {  	_ =	shalt  }
0x41: {  	_ =	shalt  }
0x42: {  	_ =	shalt  }
0x43: {  	_ =	shalt  }
0x44: {  	_ =	shalt  }
0x45: {  	_ =	shalt  }
0x46: {  	_ =	shalt  }
0x47: {  	_ =	shalt  }
0x48: {  	_ =	shalt  }
0x49: {  	_ =	shalt  }
0x4a: {  	_ =	shalt  }
0x4b: {  	_ =	shalt  }
0x4c: {  	_ =	shalt  }
0x4d: {  	_ =	shalt  }
0x4e: {  	_ =	shalt  }
0x4f: {  	_ =	shalt  }
0x50: {  	_ =	shalt  }
0x51: {  	_ =	shalt  }
0x52: {  	_ =	shalt  }
0x53: {  	_ =	shalt  }
0x54: {  	_ =	shalt  }
0x55: {  	_ =	shalt  }
0x56: {  	_ =	shalt  }
0x57: {  	_ =	shalt  }
0x58: {  	_ =	shalt  }
0x59: {  	_ =	shalt  }
0x5a: {  	_ =	shalt  }
0x5b: {  	_ =	shalt  }
0x5c: {  	_ =	shalt  }
0x5d: {  	_ =	shalt  }
0x5e: {  	_ =	shalt  }
0x5f: {  	_ =	shalt  }
0x60: {  	_ =	shalt  }
0x61: {  	_ =	shalt  }
0x62: {  	_ =	shalt  }
0x63: {  	_ =	shalt  }
0x64: {  	_ =	shalt  }
0x65: {  	_ =	shalt  }
0x66: {  	_ =	shalt  }
0x67: {  	_ =	shalt  }
0x68: {  	_ =	shalt  }
0x69: {  	_ =	shalt  }
0x6a: {  	_ =	shalt  }
0x6b: {  	_ =	shalt  }
0x6c: {  	_ =	shalt  }
0x6d: {  	_ =	shalt  }
0x6e: {  	_ =	shalt  }
0x6f: {  	_ =	shalt  }
0x70: {  	_ =	shalt  }
0x71: {  	_ =	shalt  }
0x72: {  	_ =	shalt  }
0x73: {  	_ =	shalt  }
0x74: {  	_ =	shalt  }
0x75: {  	_ =	shalt  }
0x76: {  	_ =	shalt  }
0x77: {  	_ =	shalt  }
0x78: {  	_ =	shalt  }
0x79: {  	_ =	shalt  }
0x7a: {  	_ =	shalt  }
0x7b: {  	_ =	shalt  }
0x7c: {  	_ =	shalt  }
0x7d: {  	_ =	shalt  }
0x7e: {  	_ =	shalt  }
0x7f: {  	_ =	shalt  }
0x80: {  	_ =	shalt  }
0x81: {  	_ =	shalt  }
0x82: {  	_ =	shalt  }
0x83: {  	_ =	shalt  }
0x84: {  	_ =	shalt  }
0x85: {  	_ =	shalt  }
0x86: {  	_ =	shalt  }
0x87: {  	_ =	shalt  }
.Lfunc_end0:
.L_simem_size_0:
called_computation_lowered:
.L_overlay_start_0:
0x88: {  	s2 =	sld [smem:$0x3FD9]  }
0x89: {  	s3 =	sld [smem:$0x3FFE];
	_ =	sdelay $0x1  }
0x8a: {  	s1 =	srdreg.scid  }
0x8b: {  	s0 =	sand.u32 $0x1, s1  }
0x8c: {  	s17 =	sshll.u32 s0, $0xA;
	s2 =	sadd.s32 s3, s2  }
0x8d: {  	s2 =	sadd.s32 s2, s17  }
0x8e: {  	[smem:$0x3FC6] =	sst s2  }
0x8f: {  	_ = 	snop  }
0x90: {  	s2 =	sld [smem:$0x3FD0];
	(tm) =	ssettm $0x1  }
0x91: {  	s18 =	sld [smem:$0x3FFB];
	_ =	sdelay $0x3  }
0x92: {  	_ =	strace s18  }
0x93: {  	s3 =	sld [smem:$0x3FFC];
	_ =	sdelay $0x3  }
0x94: {  	_ =	strace s3  }
0x95: {  	s3 =	sld [smem:$0x3FFD];
	_ =	sdelay $0x3  }
0x96: {  	_ =	strace s3  }
0x97: {  	_ =	strace $0x8FFFFFFF  }
0x98: {  	s19 =	sld [smem:$0x3FDB];
	_ =	sdelay $0x1  }
0x99: {  	s4 =	simm.s32 $_scs_section_size  }
0x9a: {  	s5 =	simm.s32 $_size__tile_overlayer_lowered;
	s6 =	simm.s32 $_tile_overlayer_lowered  }
0x9b: {  	s22 =	simm.s32 $0x1BFF;
	s21 =	sshll.u32 s6, $0x1;
	s3 =	sadd.s32 s4, s19  }
0x9c: {  	s7 =	simm.s32 $0x0;
	s20 =	sshll.u32 s5, $0x1;
	s5 =	sadd.s32 s21, s3  }
0x9d: {  	[timem:s7], [sflag:s22] =	dma.local [hbm:s5], s20  }
0x9e: {  	_ =	swait.ge [sflag:s22], s20  }
0x9f: {  	s4 =	ssub.s32 $0x0, s20;
	[sflag:s22] =	ssyncset.done $0x0  }
0xa0: {  	[sflag:s22] =	ssyncadd.s32 s4;
	_ =	sdelay $0x1  }
0xa1: {  	s23 =	simm.s32 $0x1B8B  }
0xa2: {  	_ =	swait.ge [sflag:s23], $0x1  }
0xa3: {  	[sflag:s23] =	ssyncset.done $0x0  }
0xa4: {  	s25 =	simm.s32 $0x1B8E;
	s24 =	sld [smem:$0x3FFE];
	[sflag:s23] =	ssyncadd.s32 $0xFFFFFFFF  }
0xa5: {  	s26 =	simm.s32 $execute0_lowered;
	[smem:$0x3FD2] =	sst s25  }
0xa6: {  	s5 =	sshll.u32 s26, $0x1;
	_ =	strace $0x80000046;
	[dreg:$0x1] =	wrdreg $0xFFFFFFFF  }
0xa7: {  	s28 =	simm.s32 $_size_execute0_lowered;
	s3 =	sadd.s32 s3, s5;
	[dreg:$0x0] =	wrdreg $0x0  }
0xa8: {  	s5 =	sshll.u32 s28, $0x1;
	[dreg:$0x2] =	wrdreg s3  }
0xa9: {  	[dreg:$0x3] =	wrdreg s5  }
0xaa: {  	[dreg:$0x4] =	wrdreg $0xC0  }
0xab: {  	_ =	task [dreg:s7], $0x5FFFF  }
0xac: {  	[dreg:$0x1] =	wrdreg $0xFFFFFFFF  }
0xad: {  	[dreg:$0x0] =	wrdreg $0x60  }
0xae: {  	[dreg:$0x2] =	wrdreg s24  }
0xaf: {  	[dreg:$0x3] =	wrdreg s2  }
0xb0: {  	[dreg:$0x4] =	wrdreg $0xA000  }
0xb1: {  	[dreg:$0x5] =	wrdreg $0x9  }
0xb2: {  	_ =	task.clear_ibuf [dreg:s7], $0x6FFFF;
	_ =	strace $0x90000046  }
0xb3: {  	s29 =	simm.s32 $0x9;
	_ =	strace $0x80000048  }
0xb4: {  	_ =	swait.ge [sflag:s29], $0x1  }
0xb5: {  	[sflag:s29] =	ssyncadd.s32 $0xFFFFFFFF  }
0xb6: {  	_ =	strace $0x90000048  }
0xb7: {  	_ =	sfence  }
0xb8: {  	s30 =	sld [smem:$0x0];
	_ =	sdelay $0x2  }
0xb9: {  	s31 =	sshll.u32 s1, $0xD;
	s1 =	sshrl.u32 s1, $0x2  }
0xba: {  	s3 =	sand.u32 $0x4000, s31;
	s1 =	sadd.s32 s1, s30  }
0xbb: {  	s0 =	sor.u32 s3, s0;
	s1 =	sshll.u32 s1, $0x11  }
0xbc: {  	s0 =	sor.u32 s1, s0  }
0xbd: {  	s0 =	sadd.s32 $0x8F2B, s0  }
0xbe: {  	[sflag:s0] =	ssyncadd.remote.s32 $0x1  }
0xbf: {  	_ =	sfence.sel $0xFFFF  }
0xc0: {  	[dreg:$0x0] =	wrdreg $0xFFFFFFFF;
	(pc) =	sbr.abs _section_cstart, $3  }
0xc1: {  	[dreg:$0x1] =	wrdreg $0xFFFFFFFF  }
0xc2: {  	_ =	task.clear_ibuf [dreg:s7], $0x2FFFF;
	_ =	strace $0x9FFFFFFF  }
0xc3: {  	(tm) =	ssettm $0x7FFFFFFF  }
tec
execute0_lowered:
.L_overlay_start_1:
0x0: {  	(tag) =	ssettag $0x1  }
0x1: {  	s5 =	rddreg [dreg:$0x0]  }
0x2: {  	s1 =	rddreg [dreg:$0x1]  }
0x3: {  	s3 =	rddreg [dreg:$0x2];
	s4 =	simm.s32 $0x0  }
0x4: {  	[smem:$0x7FF] =	sst s4  }
0x5: {  	s0 =	rddreg [dreg:$0x3];
	v0 =	vimm.f32 $1.638400000e+04;
	_ =	strace $0x80000047  }
0x6: {  	(erf) = vrcp.f32 v0;
	_ =	sdelay $0x1  }
0x7: {  	s2 =	srdreg.scid  }
0x8: {  	s2 =	sand.u32 $0x1, s2  }
0x9: {  	p0 =	seq.s32 s2, $0x1  }
.Ltmp0:
0xa: {  	_ = 	snop;
	(pc) =	sbr.rel @p0 .LBB2_5-.Ltmp0, $2  }
0xb: {  	_ =	sdelay $0x2  }
0xc: {  	s2 =	stileid.u32;
	v0 =	vpop (erf)  }
0xd: {  	s6 =	sadd.s32 $0xC00, s5;
	s7 =	sshll.u32 s2, $0x7  }
0xe: {  	s28 =	simm.s32 $0x1;
	s6 =	sadd.s32 s6, s7  }
0xf: {  	[tilespmem:s4], [sflag:$0x1] =	stream.linear.gather [hbm4b:s6+s4], $0x400, $0x38;
	[tilespmem:$0xDB0] =	vst v63  }
0x10: {  	_ =	swait.ge [sflag:s28], $0x400  }
0x11: {  	s29 =	sadd.s32 $0x1400, s5;
	[sflag:s28] =	ssyncset.done $0x0  }
0x12: {  	s30 =	simm.s32 $0x400;
	s5 =	sadd.s32 s29, s7;
	[sflag:s28] =	ssyncadd.s32 $0xFFFFFC00  }
0x13: {  	[tilespmem:s30], [sflag:$0x1] =	stream.linear.gather [hbm4b:s5+s4], $0x400, $0x38;
	[tilespmem:$0xDB0] =	vst v63  }
0x14: {  	_ =	swait.ge [sflag:s28], $0x400  }
0x15: {  	[sflag:s28] =	ssyncset.done $0x0  }
0x16: {  	s31 =	smul.u32 $0xC0, s2;
	v1 =	vimm.f32 $0.0e+00;
	[sflag:s28] =	ssyncadd.s32 $0xFFFFFC00  }
0x17: {  	[tilespmem:$0x800] =	vst v1  }
0x18: {  	s8 =	simm.s32 $0x900;
	s5 =	sshrl.u32 s31, $0x2;
	[tilespmem:$0x880] =	vst v1  }
0x19: {  	v2 =	vimm.f32 $1.000000000e+00;
	s7 =	simm.s32 $0x880;
	s6 =	simm.s32 $0x800;
	s5 =	sadd.s32 s5, s3;
	[tilespmem:$0x900] =	vst v1;
	v1 =	vimm.s32 $0x0  }
.LBB2_2:
0x1a: {  	s9 =	sshra.s32 s4, $0x2  }
0x1b: {  	v3 =	vld [tilespmem:s9+$0x0];
	_ =	sdelay $0x4  }
0x1c: {  	vm0 =	vgt.f32 v3, $6.666667010e-02;
	vm1 =	vgt.f32 v3, $1.333333400e-01  }
0x1d: {  	vm10 =	vgt.f32 v3, $2.000000030e-01;
	v4 =	vsel vm0, $0x1, v1;
	v5 =	vsel vm1, $0x1, v1  }
0x1e: {  	vm11 =	vgt.f32 v3, $2.666666810e-01;
	v62 =	vsel vm10, $0x1, v1;
	v4 =	vadd.s32 v5, v4  }
0x1f: {  	vm12 =	vgt.f32 v3, $3.333333430e-01;
	v63 =	vsel vm11, $0x1, v1;
	v4 =	vadd.s32 v62, v4  }
0x20: {  	vm13 =	vgt.f32 v3, $4.000000060e-01;
	v8 =	vsel vm12, $0x1, v1;
	v4 =	vadd.s32 v63, v4  }
0x21: {  	vm14 =	vgt.f32 v3, $4.666666690e-01;
	v9 =	vsel vm13, $0x1, v1;
	v4 =	vadd.s32 v8, v4  }
0x22: {  	vm15 =	vgt.f32 v3, $5.333333610e-01;
	v10 =	vsel vm14, $0x1, v1;
	v4 =	vadd.s32 v9, v4  }
0x23: {  	vm4 =	vgt.f32 v3, $6.000000240e-01;
	v11 =	vsel vm15, $0x1, v1;
	v4 =	vadd.s32 v10, v4  }
0x24: {  	vm5 =	vgt.f32 v3, $6.666666860e-01;
	v12 =	vsel vm4, $0x1, v1;
	v4 =	vadd.s32 v11, v4  }
0x25: {  	vm6 =	vgt.f32 v3, $7.333333490e-01;
	v13 =	vsel vm5, $0x1, v1;
	v4 =	vadd.s32 v12, v4  }
0x26: {  	vm7 =	vgt.f32 v3, $8.000000110e-01;
	v14 =	vsel vm6, $0x1, v1;
	v4 =	vadd.s32 v13, v4  }
0x27: {  	vm8 =	vgt.f32 v3, $8.666666740e-01;
	v15 =	vsel vm7, $0x1, v1;
	v4 =	vadd.s32 v14, v4  }
0x28: {  	vm9 =	vgt.f32 v3, $9.333333370e-01;
	v16 =	vsel vm8, $0x1, v1;
	v4 =	vadd.s32 v15, v4  }
0x29: {  	v17 =	vsel vm9, $0x1, v1;
	v4 =	vadd.s32 v16, v4  }
0x2a: {  	v4 =	vadd.s32 v17, v4;
	_ =	sdelay $0x1  }
0x2b: {  	v18 =	vld [tilespmem:s9+$0x400];
	_ =	sdelay $0x2  }
0x2c: {  	[tilespmem:v4+s6+$0x0] =	vst.idx.add.f32.msk $0xffff, v2  }
0x2d: {  	[tilespmem:v4+s7+$0x0] =	vst.idx.add.f32.msk $0xffff, v3  }
0x2e: {  	[tilespmem:v4+s8+$0x0] =	vst.idx.add.f32.msk $0xffff, v18  }
0x2f: {  	v3 =	vld [tilespmem:s9+$0x10];
	_ =	sdelay $0x4  }
0x30: {  	vm10 =	vgt.f32 v3, $6.666667010e-02;
	vm11 =	vgt.f32 v3, $1.333333400e-01  }
0x31: {  	vm12 =	vgt.f32 v3, $2.000000030e-01;
	v19 =	vsel vm10, $0x1, v1;
	v20 =	vsel vm11, $0x1, v1  }
0x32: {  	vm13 =	vgt.f32 v3, $2.666666810e-01;
	v21 =	vsel vm12, $0x1, v1;
	v4 =	vadd.s32 v20, v19  }
0x33: {  	vm14 =	vgt.f32 v3, $3.333333430e-01;
	v22 =	vsel vm13, $0x1, v1;
	v4 =	vadd.s32 v21, v4  }
0x34: {  	vm15 =	vgt.f32 v3, $4.000000060e-01;
	v23 =	vsel vm14, $0x1, v1;
	v4 =	vadd.s32 v22, v4  }
0x35: {  	vm4 =	vgt.f32 v3, $4.666666690e-01;
	v24 =	vsel vm15, $0x1, v1;
	v4 =	vadd.s32 v23, v4  }
0x36: {  	vm5 =	vgt.f32 v3, $5.333333610e-01;
	v25 =	vsel vm4, $0x1, v1;
	v4 =	vadd.s32 v24, v4  }
0x37: {  	vm6 =	vgt.f32 v3, $6.000000240e-01;
	v26 =	vsel vm5, $0x1, v1;
	v4 =	vadd.s32 v25, v4  }
0x38: {  	vm7 =	vgt.f32 v3, $6.666666860e-01;
	v27 =	vsel vm6, $0x1, v1;
	v4 =	vadd.s32 v26, v4  }
0x39: {  	vm8 =	vgt.f32 v3, $7.333333490e-01;
	v28 =	vsel vm7, $0x1, v1;
	v4 =	vadd.s32 v27, v4  }
0x3a: {  	vm9 =	vgt.f32 v3, $8.000000110e-01;
	v29 =	vsel vm8, $0x1, v1;
	v4 =	vadd.s32 v28, v4  }
0x3b: {  	v30 =	vsel vm9, $0x1, v1;
	vm10 =	vgt.f32 v3, $8.666666740e-01;
	v4 =	vadd.s32 v29, v4  }
0x3c: {  	vm11 =	vgt.f32 v3, $9.333333370e-01;
	v31 =	vsel vm10, $0x1, v1;
	v4 =	vadd.s32 v30, v4  }
0x3d: {  	v32 =	vsel vm11, $0x1, v1;
	v4 =	vadd.s32 v31, v4  }
0x3e: {  	v4 =	vadd.s32 v32, v4;
	_ =	sdelay $0x1  }
0x3f: {  	v33 =	vld [tilespmem:s9+$0x410];
	_ =	sdelay $0x2  }
0x40: {  	[tilespmem:v4+s6+$0x0] =	vst.idx.add.f32.msk $0xffff, v2  }
0x41: {  	[tilespmem:v4+s7+$0x0] =	vst.idx.add.f32.msk $0xffff, v3  }
0x42: {  	[tilespmem:v4+s8+$0x0] =	vst.idx.add.f32.msk $0xffff, v33  }
0x43: {  	v3 =	vld [tilespmem:s9+$0x20];
	_ =	sdelay $0x4  }
0x44: {  	vm12 =	vgt.f32 v3, $6.666667010e-02;
	vm13 =	vgt.f32 v3, $1.333333400e-01  }
0x45: {  	vm14 =	vgt.f32 v3, $2.000000030e-01;
	v34 =	vsel vm12, $0x1, v1;
	v35 =	vsel vm13, $0x1, v1  }
0x46: {  	vm15 =	vgt.f32 v3, $2.666666810e-01;
	v36 =	vsel vm14, $0x1, v1;
	v4 =	vadd.s32 v35, v34  }
0x47: {  	vm4 =	vgt.f32 v3, $3.333333430e-01;
	v37 =	vsel vm15, $0x1, v1;
	v4 =	vadd.s32 v36, v4  }
0x48: {  	vm5 =	vgt.f32 v3, $4.000000060e-01;
	v38 =	vsel vm4, $0x1, v1;
	v4 =	vadd.s32 v37, v4  }
0x49: {  	vm6 =	vgt.f32 v3, $4.666666690e-01;
	v39 =	vsel vm5, $0x1, v1;
	v4 =	vadd.s32 v38, v4  }
0x4a: {  	vm7 =	vgt.f32 v3, $5.333333610e-01;
	v40 =	vsel vm6, $0x1, v1;
	v4 =	vadd.s32 v39, v4  }
0x4b: {  	vm8 =	vgt.f32 v3, $6.000000240e-01;
	v41 =	vsel vm7, $0x1, v1;
	v4 =	vadd.s32 v40, v4  }
0x4c: {  	vm9 =	vgt.f32 v3, $6.666666860e-01;
	v42 =	vsel vm8, $0x1, v1;
	v4 =	vadd.s32 v41, v4  }
0x4d: {  	vm10 =	vgt.f32 v3, $7.333333490e-01;
	v43 =	vsel vm9, $0x1, v1;
	v4 =	vadd.s32 v42, v4  }
0x4e: {  	vm11 =	vgt.f32 v3, $8.000000110e-01;
	v44 =	vsel vm10, $0x1, v1;
	v4 =	vadd.s32 v43, v4  }
0x4f: {  	v45 =	vsel vm11, $0x1, v1;
	vm12 =	vgt.f32 v3, $8.666666740e-01;
	v4 =	vadd.s32 v44, v4  }
0x50: {  	vm13 =	vgt.f32 v3, $9.333333370e-01;
	v46 =	vsel vm12, $0x1, v1;
	v4 =	vadd.s32 v45, v4  }
0x51: {  	v47 =	vsel vm13, $0x1, v1;
	v4 =	vadd.s32 v46, v4  }
0x52: {  	v4 =	vadd.s32 v47, v4;
	_ =	sdelay $0x1  }
0x53: {  	v48 =	vld [tilespmem:s9+$0x420];
	_ =	sdelay $0x2  }
0x54: {  	[tilespmem:v4+s6+$0x0] =	vst.idx.add.f32.msk $0xffff, v2  }
0x55: {  	[tilespmem:v4+s7+$0x0] =	vst.idx.add.f32.msk $0xffff, v3  }
0x56: {  	[tilespmem:v4+s8+$0x0] =	vst.idx.add.f32.msk $0xffff, v48  }
0x57: {  	v3 =	vld [tilespmem:s9+$0x30];
	_ =	sdelay $0x4  }
0x58: {  	vm14 =	vgt.f32 v3, $6.666667010e-02;
	vm15 =	vgt.f32 v3, $1.333333400e-01  }
0x59: {  	vm4 =	vgt.f32 v3, $2.000000030e-01;
	v49 =	vsel vm14, $0x1, v1;
	v50 =	vsel vm15, $0x1, v1  }
0x5a: {  	vm5 =	vgt.f32 v3, $2.666666810e-01;
	v51 =	vsel vm4, $0x1, v1;
	v4 =	vadd.s32 v50, v49  }
0x5b: {  	vm6 =	vgt.f32 v3, $3.333333430e-01;
	v52 =	vsel vm5, $0x1, v1;
	v4 =	vadd.s32 v51, v4  }
0x5c: {  	vm7 =	vgt.f32 v3, $4.000000060e-01;
	v53 =	vsel vm6, $0x1, v1;
	v4 =	vadd.s32 v52, v4  }
0x5d: {  	vm8 =	vgt.f32 v3, $4.666666690e-01;
	v54 =	vsel vm7, $0x1, v1;
	v4 =	vadd.s32 v53, v4  }
0x5e: {  	vm9 =	vgt.f32 v3, $5.333333610e-01;
	v55 =	vsel vm8, $0x1, v1;
	v4 =	vadd.s32 v54, v4  }
0x5f: {  	vm10 =	vgt.f32 v3, $6.000000240e-01;
	v56 =	vsel vm9, $0x1, v1;
	v4 =	vadd.s32 v55, v4  }
0x60: {  	vm11 =	vgt.f32 v3, $6.666666860e-01;
	v57 =	vsel vm10, $0x1, v1;
	v4 =	vadd.s32 v56, v4  }
0x61: {  	vm12 =	vgt.f32 v3, $7.333333490e-01;
	v58 =	vsel vm11, $0x1, v1;
	v4 =	vadd.s32 v57, v4  }
0x62: {  	vm13 =	vgt.f32 v3, $8.000000110e-01;
	v59 =	vsel vm12, $0x1, v1;
	v4 =	vadd.s32 v58, v4  }
0x63: {  	v60 =	vsel vm13, $0x1, v1;
	vm14 =	vgt.f32 v3, $8.666666740e-01;
	v4 =	vadd.s32 v59, v4  }
0x64: {  	vm15 =	vgt.f32 v3, $9.333333370e-01;
	v61 =	vsel vm14, $0x1, v1;
	v4 =	vadd.s32 v60, v4  }
0x65: {  	v62 =	vsel vm15, $0x1, v1;
	v4 =	vadd.s32 v61, v4  }
0x66: {  	v4 =	vadd.s32 v62, v4;
	_ =	sdelay $0x1  }
0x67: {  	p0 =	sne.s32 s4, $0xF00;
	v63 =	vld [tilespmem:s9+$0x430]  }
.Ltmp1:
0x68: {  	_ = 	snop;
	(pc) =	sbr.rel @p0 .LBB2_2-.Ltmp1, $4  }
0x69: {  	_ = 	snop  }
0x6a: {  	[tilespmem:v4+s6+$0x0] =	vst.idx.add.f32.msk $0xffff, v2  }
0x6b: {  	[tilespmem:v4+s7+$0x0] =	vst.idx.add.f32.msk $0xffff, v3  }
0x6c: {  	s4 =	sadd.s32 $0x100, s4;
	[tilespmem:v4+s8+$0x0] =	vst.idx.add.f32.msk $0xffff, v63  }
0x6d: {  	v1 =	vld [tilespmem:$0x800]  }
0x6e: {  	v2 =	vld [tilespmem:$0x880]  }
0x6f: {  	v3 =	vld [tilespmem:$0x900];
	_ =	sdelay $0x2  }
0x70: {  	[tilespmem:$0x980] =	vst v1  }
0x71: {  	[tilespmem:$0x990] =	vst v2  }
0x72: {  	s4 =	simm.s32 $0x980;
	[tilespmem:$0x9A0] =	vst v3  }
0x73: {  	[spmem:s5] =	stream.linear.scatter [tilespmem:s4], [sflag:$0x1], $0x30, $0x38;
	[tilespmem:$0xDB0] =	vst v63  }
0x74: {  	p0 =	sne.s32 s2, $0x0;
	s4 =	simm.s32 $0x1  }
.Ltmp2:
0x75: {  	_ =	swait.ge [sflag:s4], $0x30;
	(pc) =	sbr.rel @p0 .LBB2_5-.Ltmp2, $3  }
0x76: {  	[sflag:s4] =	ssyncset.done $0x0  }
0x77: {  	[sflag:s4] =	ssyncadd.s32 $0xFFFFFFD0  }
0x78: {  	[bflag:$0x0] =	sbarrier.arrive $0xFFFF;
	_ =	sdelay $0x1  }
0x79: {  	s5 =	simm.s32 $0xA30  }
0x7a: {  	[tilespmem:s5], [sflag:$0x1] =	stream.linear.gather [spmem:s3], $0x300, $0x38;
	[tilespmem:$0xDB0] =	vst v63  }
0x7b: {  	_ =	swait.ge [sflag:s4], $0x300  }
0x7c: {  	[sflag:s4] =	ssyncset.done $0x0  }
0x7d: {  	[sflag:s4] =	ssyncadd.s32 $0xFFFFFD00  }
0x7e: {  	v1 =	vld [tilespmem:$0xA30]  }
0x7f: {  	v2 =	vld [tilespmem:$0xA40]  }
0x80: {  	v3 =	vld [tilespmem:$0xA50]  }
0x81: {  	v4 =	vld [tilespmem:$0xA60]  }
0x82: {  	v5 =	vld [tilespmem:$0xA70]  }
0x83: {  	v6 =	vld [tilespmem:$0xA80]  }
0x84: {  	v7 =	vld [tilespmem:$0xA90]  }
0x85: {  	v8 =	vld [tilespmem:$0xAA0]  }
0x86: {  	v9 =	vld [tilespmem:$0xAB0]  }
0x87: {  	v10 =	vld [tilespmem:$0xAC0]  }
0x88: {  	v11 =	vld [tilespmem:$0xAD0]  }
0x89: {  	v12 =	vld [tilespmem:$0xAE0]  }
0x8a: {  	v13 =	vld [tilespmem:$0xAF0]  }
0x8b: {  	v14 =	vld [tilespmem:$0xB00]  }
0x8c: {  	v15 =	vld [tilespmem:$0xB10];
	v1 =	vadd.f32 $0.0e+00, v1  }
0x8d: {  	v16 =	vld [tilespmem:$0xB20]  }
0x8e: {  	v33 =	vld [tilespmem:$0xB30];
	v1 =	vadd.f32 v4, v1  }
0x8f: {  	v17 =	vld [tilespmem:$0xB40]  }
0x90: {  	v34 =	vld [tilespmem:$0xB50];
	v1 =	vadd.f32 v7, v1  }
0x91: {  	v18 =	vld [tilespmem:$0xB60]  }
0x92: {  	v35 =	vld [tilespmem:$0xB70];
	v1 =	vadd.f32 v10, v1  }
0x93: {  	v19 =	vld [tilespmem:$0xB80];
	v2 =	vadd.f32 $0.0e+00, v2  }
0x94: {  	v36 =	vld [tilespmem:$0xB90];
	v3 =	vadd.f32 $0.0e+00, v3;
	v1 =	vadd.f32 v13, v1  }
0x95: {  	v37 =	vld [tilespmem:$0xBA0];
	v2 =	vadd.f32 v5, v2  }
0x96: {  	v38 =	vld [tilespmem:$0xBB0];
	v3 =	vadd.f32 v6, v3;
	v1 =	vadd.f32 v16, v1  }
0x97: {  	v39 =	vld [tilespmem:$0xBC0];
	v2 =	vadd.f32 v8, v2  }
0x98: {  	v40 =	vld [tilespmem:$0xBD0];
	v3 =	vadd.f32 v9, v3;
	v1 =	vadd.f32 v34, v1  }
0x99: {  	v41 =	vld [tilespmem:$0xBE0];
	v2 =	vadd.f32 v11, v2  }
0x9a: {  	v42 =	vld [tilespmem:$0xBF0];
	v3 =	vadd.f32 v12, v3;
	v1 =	vadd.f32 v19, v1  }
0x9b: {  	v43 =	vld [tilespmem:$0xC10];
	v2 =	vadd.f32 v14, v2  }
0x9c: {  	v44 =	vld [tilespmem:$0xC00];
	v3 =	vadd.f32 v15, v3;
	v1 =	vadd.f32 v38, v1  }
0x9d: {  	v45 =	vld [tilespmem:$0xC40];
	v2 =	vadd.f32 v33, v2  }
0x9e: {  	v46 =	vld [tilespmem:$0xC20];
	v3 =	vadd.f32 v17, v3;
	v1 =	vadd.f32 v41, v1  }
0x9f: {  	v47 =	vld [tilespmem:$0xC70];
	v2 =	vadd.f32 v18, v2  }
0xa0: {  	v48 =	vld [tilespmem:$0xC30];
	v3 =	vadd.f32 v35, v3;
	v1 =	vadd.f32 v43, v1  }
0xa1: {  	v49 =	vld [tilespmem:$0xCA0];
	v2 =	vadd.f32 v36, v2  }
0xa2: {  	v50 =	vld [tilespmem:$0xC50];
	v3 =	vadd.f32 v37, v3;
	v1 =	vadd.f32 v45, v1  }
0xa3: {  	v51 =	vld [tilespmem:$0xCD0];
	v2 =	vadd.f32 v39, v2  }
0xa4: {  	v52 =	vld [tilespmem:$0xC60];
	v3 =	vadd.f32 v40, v3;
	v1 =	vadd.f32 v47, v1  }
0xa5: {  	v53 =	vld [tilespmem:$0xD00];
	v2 =	vadd.f32 v42, v2  }
0xa6: {  	v54 =	vld [tilespmem:$0xC80];
	v3 =	vadd.f32 v44, v3;
	v1 =	vadd.f32 v49, v1  }
0xa7: {  	v55 =	vld [tilespmem:$0xC90];
	v2 =	vadd.f32 v46, v2  }
0xa8: {  	v56 =	vld [tilespmem:$0xCB0];
	v3 =	vadd.f32 v48, v3;
	v1 =	vadd.f32 v51, v1  }
0xa9: {  	v57 =	vld [tilespmem:$0xCC0];
	v2 =	vadd.f32 v50, v2  }
0xaa: {  	v58 =	vld [tilespmem:$0xCE0];
	v3 =	vadd.f32 v52, v3;
	v1 =	vadd.f32 v53, v1  }
0xab: {  	v59 =	vld [tilespmem:$0xCF0]  }
0xac: {  	v60 =	vld [tilespmem:$0xD10];
	v2 =	vadd.f32 v54, v2;
	v3 =	vadd.f32 v55, v3;
	v61 =	vmax.f32 v1, $1.000000000e+00  }
0xad: {  	v62 =	vld [tilespmem:$0xD20];
	(erf) = vrcp.f32 v61  }
0xae: {  	v2 =	vadd.f32 v56, v2;
	v3 =	vadd.f32 v57, v3;
	_ =	sdelay $0x1  }
0xaf: {  	v2 =	vadd.f32 v58, v2;
	v3 =	vadd.f32 v59, v3;
	_ =	sdelay $0x1  }
0xb0: {  	v2 =	vadd.f32 v60, v2;
	v3 =	vadd.f32 v62, v3;
	_ =	sdelay $0x1  }
0xb1: {  	v2 =	vsub.f32 v2, v3;
	_ =	sdelay $0x1  }
0xb2: {  	v2 =	vand.u32 $0x7FFFFFFF, v2;
	v63 =	vpop (erf)  }
0xb3: {  	v0 =	vmul.f32 v1, v0;
	v2 =	vmul.f32 v2, v63;
	_ =	sdelay $0x1  }
0xb4: {  	v0 =	vmul.f32 v2, v0  }
0xb5: {  	vm0 =	vgt.f32 v1, $0.0e+00  }
0xb6: {  	v0 =	vnsel vm0, $0x0, v0  }
0xb7: {  	(xrf2) =	vadd.scan.msk.f32 $0xffff, v0;
	_ =	sdelay $0x9  }
0xb8: {  	v0, _, _ =	vpop (xrf2)  }
0xb9: {  	v0 =	vbroadcast v0, $0xF;
	_ =	sdelay $0x1  }
0xba: {  	s30 =	simm.s32 $0x0;
	s31 =	simm.s32 $0xD30;
	[tilespmem:$0xD30] =	vst v0  }
0xbb: {  	[hbm4b:s1+s30] =	stream.linear.scatter [tilespmem:s31], [sflag:$0x1], $0x80, $0x38;
	[tilespmem:$0xDB0] =	vst v63  }
0xbc: {  	_ =	swait.ge [sflag:s4], $0x80  }
0xbd: {  	[sflag:s4] =	ssyncset.done $0x0  }
0xbe: {  	[sflag:s4] =	ssyncadd.s32 $0xFFFFFF80  }
.LBB2_5:
0xbf: {  	_ =	sfence.sel $0x180000  }
0xc0: {  	[bflag:$0x0] =	sbarrier.arrive $0xFFFF  }
0xc1: {  	p0 =	sne.s32 s2, $0x0;
	_ =	strace $0x90000047  }
0xc2: {  	s0 =	sadd.s32 @!p0 $0x100000, s0;
	[bflag:$0x2] =	sbarrier.arrive $0xFFFF  }
0xc3: {  	[sflag:s0] =	ssyncadd.tile.s32 @!p0 $0x1;
	_ =	shalt  }
.Lfunc_end2:
_tile_overlayer_lowered:
.L_overlay_start_2:
0xc4: {  	(tag) =	ssettag $0x2  }
0xc5: {  	s0 =	rddreg [dreg:$0x0];
	s2 =	stileid.u32  }
0xc6: {  	s1 =	rddreg [dreg:$0x1];
	p0 =	sne.s32 s2, $0x0  }
0xc7: {  	s3 =	rddreg [dreg:$0x2];
	[bflag:$0x3] =	sbarrier.arrive $0xFFFF;
	s2 =	simm.s32 @!p0 $0x1C01  }
0xc8: {  	[timem:s3], [sflag:s2] =	dma.local @!p0 [hbm:s0], s1  }
0xc9: {  	s0 =	simm.s32 @!p0 $0x1  }
0xca: {  	_ =	swait.ge @!p0 [sflag:s0], s1  }
0xcb: {  	s1 =	ssub.s32 @!p0 $0x0, s1;
	[sflag:s0] =	ssyncset.done @!p0 $0x0  }
0xcc: {  	[sflag:s0] =	ssyncadd.s32 @!p0 s1  }
0xcd: {  	[bflag:$0x3] =	sbarrier.arrive $0xFFFF  }
0xce: {  	_ =	shalt  }

</sc_bundles>
